<compile_context>
chip_gen: v7x
topology: tpu7x:2x2x1
jax: 0.10.2.dev20260603
libtpu: 0.0.44.dev20260713+nightly
codegen_flags: <defaults>
</compile_context>

<pallas_src>
import functools

import jax
import jax.numpy as jnp
from jax import lax
from jax.experimental import pallas as pl
from jax.experimental.pallas import tpu as pltpu
from jax.experimental.pallas import tpu_sc as plsc

N = 10000
D = 128
NC = 2
NS = 16
NW = NC * NS
K = 128
N_ACC = 10112
RPT = N_ACC // NS

_mesh = plsc.VectorSubcoreMesh(core_axis_name="c", subcore_axis_name="s")


def _cdiv(a, b):
    return (a + b - 1) // b



def _make_deg_kernel(cpt):
    ept = cpt * K

    @functools.partial(
        pl.kernel,
        out_type=jax.ShapeDtypeStruct((NW, 1, N_ACC), jnp.float32),
        mesh=_mesh,
        scratch_types=[
            pltpu.VMEM((ept,), jnp.int32),
            pltpu.VMEM((N_ACC,), jnp.float32),
        ],
        compiler_params=pltpu.CompilerParams(needs_layout_passes=False),
    )
    def deg_kernel(dst_hbm, out_hbm, dstb, hist):
        c = lax.axis_index("c")
        s = lax.axis_index("s")
        wid = c * NS + s
        pltpu.sync_copy(dst_hbm.at[pl.ds(wid * ept, ept)], dstb)

        def zbody(i, carry):
            hist[pl.ds(i * 16, 16)] = jnp.zeros((16,), jnp.float32)
            return carry

        lax.fori_loop(0, N_ACC // 16, zbody, 0)
        ones16 = jnp.ones((16,), jnp.float32)

        def body(i, carry):
            idx = dstb[pl.ds(i * 16, 16)]
            plsc.addupdate_scatter(hist, [idx], ones16)
            return carry

        lax.fori_loop(0, ept // 16, body, 0)
        pltpu.sync_copy(hist, out_hbm.at[wid, 0])

    return deg_kernel


def _make_agg_kernel(cpt):
    @functools.partial(
        pl.kernel,
        out_type=jax.ShapeDtypeStruct((NC, N_ACC, D), jnp.float32),
        mesh=_mesh,
        scratch_types=[
            pltpu.VMEM((K,), jnp.int32),
            pltpu.VMEM((K,), jnp.int32),
            pltpu.VMEM((K, D), jnp.float32),
            pltpu.VMEM_SHARED((N_ACC, D), jnp.float32),
            pltpu.SemaphoreType.DMA,
        ],
    )
    def agg_kernel(h_hbm, src_hbm, dst_hbm, zeros_hbm, out_hbm,
                   src_v, dst_v, rows_v, acc, gsem):
        c = lax.axis_index("c")
        s = lax.axis_index("s")
        wid = c * NS + s
        pltpu.sync_copy(
            zeros_hbm.at[pl.ds(s * RPT, RPT)],
            acc.at[pl.ds(s * RPT, RPT)],
        )
        plsc.subcore_barrier()

        def body(a, carry):
            base = (wid * cpt + a) * K
            pltpu.sync_copy(src_hbm.at[pl.ds(base, K)], src_v)
            pltpu.sync_copy(dst_hbm.at[pl.ds(base, K)], dst_v)
            pltpu.async_copy(h_hbm.at[src_v], rows_v, gsem).wait()
            pltpu.sync_copy(rows_v, acc.at[dst_v], add=True)
            return carry

        lax.fori_loop(0, cpt, body, 0)
        plsc.subcore_barrier()
        pltpu.sync_copy(
            acc.at[pl.ds(s * RPT, RPT)],
            out_hbm.at[c, pl.ds(s * RPT, RPT)],
        )

    return agg_kernel



def _tc_first_body(h_ref, x_ref, w_ref, dinv_ref, hp_ref):
    ones_w = jnp.ones((NW, 1), jnp.float32)
    deg = 1.0 + lax.dot_general(
        h_ref[...], ones_w, (((0,), (0,)), ((), ())),
        preferred_element_type=jnp.float32)
    dinv = lax.rsqrt(deg)
    y = jnp.dot(x_ref[...], w_ref[...], preferred_element_type=jnp.float32)
    dinv_ref[...] = dinv
    hp_ref[...] = y * dinv


_tc_first = pl.pallas_call(
    _tc_first_body,
    out_shape=[
        jax.ShapeDtypeStruct((N, 1), jnp.float32),
        jax.ShapeDtypeStruct((N, D), jnp.float32),
    ],
)


def _tc_mid_body(p0_ref, p1_ref, hp_ref, dinv_ref, b_ref, g_ref, be_ref,
                 w_ref, out_ref):
    dinv = dinv_ref[...]
    t = dinv * (p0_ref[...] + p1_ref[...] + hp_ref[...]) + b_ref[...]
    m = jnp.mean(t, axis=0, keepdims=True)
    cen = t - m
    v = jnp.mean(cen * cen, axis=0, keepdims=True)
    tn = cen * lax.rsqrt(v + 1e-5) * g_ref[...] + be_ref[...]
    h = jnp.maximum(tn, 0.0)
    y = jnp.dot(h, w_ref[...], preferred_element_type=jnp.float32)
    out_ref[...] = y * dinv


_tc_mid = pl.pallas_call(
    _tc_mid_body,
    out_shape=jax.ShapeDtypeStruct((N, D), jnp.float32),
)


def _tc_final_body(p0_ref, p1_ref, hp_ref, dinv_ref, b_ref, out_ref):
    t = dinv_ref[...] * (p0_ref[...] + p1_ref[...] + hp_ref[...]) + b_ref[...]
    mx = jnp.max(t, axis=1, keepdims=True)
    ex = jnp.exp(t - mx)
    lse = jnp.log(jnp.sum(ex, axis=1, keepdims=True)) + mx
    out_ref[...] = t - lse


_tc_final = pl.pallas_call(
    _tc_final_body,
    out_shape=jax.ShapeDtypeStruct((N, D), jnp.float32),
)



def kernel(x, edge_index, W1, b1, g1, be1, W2, b2, g2, be2, Wl, bl):
    e = edge_index.shape[1]
    cpt = _cdiv(e, NW * K)
    e_pad = NW * K * cpt
    pad = e_pad - e

    src = edge_index[0].astype(jnp.int32)
    dst = edge_index[1].astype(jnp.int32)
    src_p = jnp.concatenate([src, jnp.zeros((pad,), jnp.int32)])
    dst_p = jnp.concatenate([dst, jnp.full((pad,), N, jnp.int32)])

    zeros_agg = jnp.zeros((N_ACC, D), jnp.float32)

    hists = _make_deg_kernel(cpt)(dst_p)[:, 0, :N]

    b1r = b1.reshape(1, D)
    g1r = g1.reshape(1, D)
    be1r = be1.reshape(1, D)
    b2r = b2.reshape(1, D)
    g2r = g2.reshape(1, D)
    be2r = be2.reshape(1, D)
    blr = bl.reshape(1, D)

    agg = _make_agg_kernel(cpt)

    dinv, hp1 = _tc_first(hists, x, W1)
    p1 = agg(hp1, src_p, dst_p, zeros_agg)
    hp2 = _tc_mid(p1[0, :N], p1[1, :N], hp1, dinv, b1r, g1r, be1r, W2)
    p2 = agg(hp2, src_p, dst_p, zeros_agg)
    hp3 = _tc_mid(p2[0, :N], p2[1, :N], hp2, dinv, b2r, g2r, be2r, Wl)
    p3 = agg(hp3, src_p, dst_p, zeros_agg)
    return _tc_final(p3[0, :N], p3[1, :N], hp3, dinv, blr)

# --- scband reference (transcript-rebuilt; emitter-appended) ---
"""Pipeline reference for scband-gcn-81973745811883 (READ-ONLY COPY).

The authoritative reference and input builder live on the scoring server;
editing this copy changes nothing except your own understanding.
"""

import jax, jax.numpy as jnp
import numpy as np

N = 10000
E = 320000
D = 128


def setup_inputs(seed: int = 0) -> dict:
    key = jax.random.key(seed)
    ks = jax.random.split(key, 8)
    inp = {}
    inp['x'] = jax.random.normal(ks[0], (N, D), dtype=jnp.float32)
    inp['edge_index'] = jax.random.randint(ks[1], (2, E), 0, N)
    s = 1.0 / np.sqrt(D)
    inp['W1'] = jax.random.normal(ks[2], (D, D), dtype=jnp.float32) * s
    inp['b1'] = jnp.zeros((D,), dtype=jnp.float32)
    inp['g1'] = jnp.ones((D,), dtype=jnp.float32)
    inp['be1'] = jnp.zeros((D,), dtype=jnp.float32)
    inp['W2'] = jax.random.normal(ks[3], (D, D), dtype=jnp.float32) * s
    inp['b2'] = jnp.zeros((D,), dtype=jnp.float32)
    inp['g2'] = jnp.ones((D,), dtype=jnp.float32)
    inp['be2'] = jnp.zeros((D,), dtype=jnp.float32)
    inp['Wl'] = jax.random.normal(ks[4], (D, D), dtype=jnp.float32) * s
    inp['bl'] = jnp.zeros((D,), dtype=jnp.float32)
    return inp


def _batch_norm(h, gamma, beta, eps=1e-5):
    mean = jnp.mean(h, axis=0)
    var = jnp.var(h, axis=0)
    return (h - mean) / jnp.sqrt(var + eps) * gamma + beta


def reference(x, edge_index, W1, b1, g1, be1, W2, b2, g2, be2, Wl, bl):
    n = x.shape[0]
    loop = jnp.arange(n, dtype=edge_index.dtype)
    src = jnp.concatenate([edge_index[0], loop])
    dst = jnp.concatenate([edge_index[1], loop])
    deg = jnp.zeros((n,), dtype=x.dtype).at[dst].add(1.0)
    dinv = 1.0 / jnp.sqrt(deg)
    norm = dinv[src] * dinv[dst]

    def conv(h, W, b):
        h = h @ W
        msg = h[src] * norm[:, None]
        out = jnp.zeros((n, W.shape[1]), dtype=h.dtype).at[dst].add(msg)
        return out + b

    h = conv(x, W1, b1)
    h = _batch_norm(h, g1, be1)
    h = jax.nn.relu(h)
    # dropout p=0.0 -> identity
    h = conv(h, W2, b2)
    h = _batch_norm(h, g2, be2)
    h = jax.nn.relu(h)
    h = conv(h, Wl, bl)
    return jax.nn.log_softmax(h, axis=-1)

if __name__ == "__main__":
    import jax
    _d = setup_inputs()
    print(jax.jit(kernel)(*tuple(_d.values())))

</pallas_src>

<mosaic_0001>
#map = affine_map<(d0, d1) -> (0, 0)>
#map1 = affine_map<(d0, d1) -> (0)>
#map2 = affine_map<(d0, d1) -> (0, 0, 0)>
module attributes {stable_mosaic.version = 14 : i64} {
  func.func @agg_kernel(%arg0: i32, %arg1: i32, %arg2: memref<10000x128xf32, #tpu.memory_space<hbm>>, %arg3: memref<323584xi32, #tpu.memory_space<hbm>>, %arg4: memref<323584xi32, #tpu.memory_space<hbm>>, %arg5: memref<10112x128xf32, #tpu.memory_space<hbm>>, %arg6: memref<2x10112x128xf32, #tpu.memory_space<hbm>>, %arg7: memref<128xi32, #tpu.memory_space<vmem>>, %arg8: memref<128xi32, #tpu.memory_space<vmem>>, %arg9: memref<128x128xf32, #tpu.memory_space<vmem>>, %arg10: memref<10112x128xf32, #tpu.memory_space<vmem_shared>>, %arg11: memref<!tpu.dma_semaphore, #tpu.memory_space<semaphore_mem>>) attributes {dimension_semantics = [#tpu.dimension_semantics<core_parallel>, #tpu.dimension_semantics<subcore_parallel>], iteration_bounds = array<i64: 2, 16>, scalar_prefetch = 0 : i64, scratch_operands = 5 : i64, tpu.core_type = #tpu.core_type<sc_vector_subcore>, window_params = [{transform_indices = #map}, {transform_indices = #map1}, {transform_indices = #map1}, {transform_indices = #map}, {transform_indices = #map2}]} {
    %mul3A = arith.constant 16 : i32
    %mul3A_0 = arith.muli %arg0, %mul3A : i32
    %add3A = arith.addi %mul3A_0, %arg1 : i32
    %mul3A_1 = arith.constant 632 : i32
    %mul3A_2 = arith.muli %arg1, %mul3A_1 : i32
    %mul3A_3 = arith.constant 632 : i32
    %mul3A_4 = arith.muli %arg1, %mul3A_3 : i32
    "tpu.region"() ({
      %run_scoped3A = tpu.sem_alloc : memref<!tpu.dma_semaphore, #tpu.memory_space<semaphore_mem>>
      %dma_start3A = arith.constant 0 : i32
      %dma_start3A_15 = tpu.memref_slice %arg10[%mul3A_4, %dma_start3A] : memref<10112x128xf32, #tpu.memory_space<vmem_shared>> -> memref<632x128xf32, #tpu.memory_space<vmem_shared>>
      %dma_start3A_16 = arith.constant 0 : i32
      %dma_start3A_17 = tpu.memref_slice %arg5[%mul3A_2, %dma_start3A_16] : memref<10112x128xf32, #tpu.memory_space<hbm>> -> memref<632x128xf32, #tpu.memory_space<hbm>>
      tpu.enqueue_dma source(%dma_start3A_17 : memref<632x128xf32, #tpu.memory_space<hbm>>) target(%dma_start3A_15 : memref<632x128xf32, #tpu.memory_space<vmem_shared>>) target_semaphore(%run_scoped3A : memref<!tpu.dma_semaphore, #tpu.memory_space<semaphore_mem>>)
      %dma_wait3A = arith.constant 0 : i32
      %dma_wait3A_18 = tpu.memref_slice %arg10[%mul3A_4, %dma_wait3A] : memref<10112x128xf32, #tpu.memory_space<vmem_shared>> -> memref<632x128xf32, #tpu.memory_space<vmem_shared>>
      %dma_wait3A_19 = arith.constant 0 : i32
      %dma_wait3A_20 = tpu.memref_slice %arg5[%mul3A_2, %dma_wait3A_19] : memref<10112x128xf32, #tpu.memory_space<hbm>> -> memref<632x128xf32, #tpu.memory_space<hbm>>
      tpu.wait_dma2 semaphore(%run_scoped3A : memref<!tpu.dma_semaphore, #tpu.memory_space<semaphore_mem>>) src(%dma_wait3A_20 : memref<632x128xf32, #tpu.memory_space<hbm>>) dst(%dma_wait3A_18 : memref<632x128xf32, #tpu.memory_space<vmem_shared>>)
      tpu.yield
    }) : () -> ()
    %barrier3A = arith.constant 0 : index
    tpu.barrier barrier_id(%barrier3A)
    %scan3A = arith.constant 0 : i32
    %scan3A_5 = arith.constant 0 : i32
    %scan3A_6 = arith.constant 79 : i32
    %scan3A_7 = arith.addi %scan3A_5, %scan3A_6 : i32
    %scan3A_8 = arith.constant 1 : i32
    scf.for %scan3A_15 = %scan3A_5 to %scan3A_7 step %scan3A_8  : i32 {
      %mul3A_16 = arith.constant 79 : i32
      %mul3A_17 = arith.muli %add3A, %mul3A_16 : i32
      %add3A_18 = arith.addi %mul3A_17, %scan3A_15 : i32
      %mul3A_19 = arith.constant 128 : i32
      %mul3A_20 = arith.muli %add3A_18, %mul3A_19 : i32
      "tpu.region"() ({
        %run_scoped3A = tpu.sem_alloc : memref<!tpu.dma_semaphore, #tpu.memory_space<semaphore_mem>>
        %dma_start3A_25 = tpu.memref_slice %arg3[%mul3A_20] : memref<323584xi32, #tpu.memory_space<hbm>> -> memref<128xi32, #tpu.memory_space<hbm>>
        %dma_start3A_26 = tpu.memref_slice %arg3[%mul3A_20] : memref<323584xi32, #tpu.memory_space<hbm>> -> memref<128xi32, #tpu.memory_space<hbm>>
        tpu.enqueue_dma source(%dma_start3A_26 : memref<128xi32, #tpu.memory_space<hbm>>) target(%arg7 : memref<128xi32, #tpu.memory_space<vmem>>) target_semaphore(%run_scoped3A : memref<!tpu.dma_semaphore, #tpu.memory_space<semaphore_mem>>)
        %dma_wait3A_27 = tpu.memref_slice %arg3[%mul3A_20] : memref<323584xi32, #tpu.memory_space<hbm>> -> memref<128xi32, #tpu.memory_space<hbm>>
        %dma_wait3A_28 = tpu.memref_slice %arg3[%mul3A_20] : memref<323584xi32, #tpu.memory_space<hbm>> -> memref<128xi32, #tpu.memory_space<hbm>>
        tpu.wait_dma2 semaphore(%run_scoped3A : memref<!tpu.dma_semaphore, #tpu.memory_space<semaphore_mem>>) src(%dma_wait3A_28 : memref<128xi32, #tpu.memory_space<hbm>>) dst(%arg7 : memref<128xi32, #tpu.memory_space<vmem>>)
        tpu.yield
      }) : () -> ()
      "tpu.region"() ({
        %run_scoped3A = tpu.sem_alloc : memref<!tpu.dma_semaphore, #tpu.memory_space<semaphore_mem>>
        %dma_start3A_25 = tpu.memref_slice %arg4[%mul3A_20] : memref<323584xi32, #tpu.memory_space<hbm>> -> memref<128xi32, #tpu.memory_space<hbm>>
        %dma_start3A_26 = tpu.memref_slice %arg4[%mul3A_20] : memref<323584xi32, #tpu.memory_space<hbm>> -> memref<128xi32, #tpu.memory_space<hbm>>
        tpu.enqueue_dma source(%dma_start3A_26 : memref<128xi32, #tpu.memory_space<hbm>>) target(%arg8 : memref<128xi32, #tpu.memory_space<vmem>>) target_semaphore(%run_scoped3A : memref<!tpu.dma_semaphore, #tpu.memory_space<semaphore_mem>>)
        %dma_wait3A_27 = tpu.memref_slice %arg4[%mul3A_20] : memref<323584xi32, #tpu.memory_space<hbm>> -> memref<128xi32, #tpu.memory_space<hbm>>
        %dma_wait3A_28 = tpu.memref_slice %arg4[%mul3A_20] : memref<323584xi32, #tpu.memory_space<hbm>> -> memref<128xi32, #tpu.memory_space<hbm>>
        tpu.wait_dma2 semaphore(%run_scoped3A : memref<!tpu.dma_semaphore, #tpu.memory_space<semaphore_mem>>) src(%dma_wait3A_28 : memref<128xi32, #tpu.memory_space<hbm>>) dst(%arg8 : memref<128xi32, #tpu.memory_space<vmem>>)
        tpu.yield
      }) : () -> ()
      %dma_start3A = arith.constant 0 : i32
      %dma_start3A_21 = arith.constant 0 : i32
      %dma_start3A_22 = tpu.memref_slice %arg2[%dma_start3A, %dma_start3A_21] : memref<10000x128xf32, #tpu.memory_space<hbm>> -> memref<10000x128xf32, #tpu.memory_space<hbm>>
      tpu.enqueue_indirect_dma source(%dma_start3A_22 : memref<10000x128xf32, #tpu.memory_space<hbm>>) target(%arg9 : memref<128x128xf32, #tpu.memory_space<vmem>>) offsets(%arg7 : memref<128xi32, #tpu.memory_space<vmem>>) semaphore(%arg11 : memref<!tpu.dma_semaphore, #tpu.memory_space<semaphore_mem>>)
      %dma_wait3A = arith.constant 0 : i32
      %dma_wait3A_23 = arith.constant 0 : i32
      %dma_wait3A_24 = tpu.memref_slice %arg2[%dma_wait3A, %dma_wait3A_23] : memref<10000x128xf32, #tpu.memory_space<hbm>> -> memref<10000x128xf32, #tpu.memory_space<hbm>>
      tpu.wait_indirect_dma semaphore(%arg11 : memref<!tpu.dma_semaphore, #tpu.memory_space<semaphore_mem>>) src(%dma_wait3A_24 : memref<10000x128xf32, #tpu.memory_space<hbm>>) dst(%arg9 : memref<128x128xf32, #tpu.memory_space<vmem>>)
      "tpu.region"() ({
        %run_scoped3A = tpu.sem_alloc : memref<!tpu.dma_semaphore, #tpu.memory_space<semaphore_mem>>
        %dma_start3A_25 = arith.constant 0 : i32
        %dma_start3A_26 = arith.constant 0 : i32
        %dma_start3A_27 = tpu.memref_slice %arg10[%dma_start3A_25, %dma_start3A_26] : memref<10112x128xf32, #tpu.memory_space<vmem_shared>> -> memref<10112x128xf32, #tpu.memory_space<vmem_shared>>
        tpu.enqueue_indirect_dma source(%arg9 : memref<128x128xf32, #tpu.memory_space<vmem>>) target(%dma_start3A_27 : memref<10112x128xf32, #tpu.memory_space<vmem_shared>>) offsets(%arg8 : memref<128xi32, #tpu.memory_space<vmem>>) semaphore(%run_scoped3A : memref<!tpu.dma_semaphore, #tpu.memory_space<semaphore_mem>>) {add = true}
        %dma_wait3A_28 = arith.constant 0 : i32
        %dma_wait3A_29 = arith.constant 0 : i32
        %dma_wait3A_30 = tpu.memref_slice %arg10[%dma_wait3A_28, %dma_wait3A_29] : memref<10112x128xf32, #tpu.memory_space<vmem_shared>> -> memref<10112x128xf32, #tpu.memory_space<vmem_shared>>
        tpu.wait_indirect_dma semaphore(%run_scoped3A : memref<!tpu.dma_semaphore, #tpu.memory_space<semaphore_mem>>) src(%arg9 : memref<128x128xf32, #tpu.memory_space<vmem>>) dst(%dma_wait3A_30 : memref<10112x128xf32, #tpu.memory_space<vmem_shared>>)
        tpu.yield
      }) : () -> ()
    }
    %scan3A_9 = arith.constant 79 : i32
    %barrier3A_10 = arith.constant 0 : index
    tpu.barrier barrier_id(%barrier3A_10)
    %mul3A_11 = arith.constant 632 : i32
    %mul3A_12 = arith.muli %arg1, %mul3A_11 : i32
    %mul3A_13 = arith.constant 632 : i32
    %mul3A_14 = arith.muli %arg1, %mul3A_13 : i32
    "tpu.region"() ({
      %run_scoped3A = tpu.sem_alloc : memref<!tpu.dma_semaphore, #tpu.memory_space<semaphore_mem>>
      %dma_start3A = arith.constant 0 : i32
      %dma_start3A_15 = tpu.memref_slice %arg6[%arg0, %mul3A_14, %dma_start3A] : memref<2x10112x128xf32, #tpu.memory_space<hbm>> -> memref<1x632x128xf32, #tpu.memory_space<hbm>>
      %dma_start3A_16 = tpu.memref_squeeze %dma_start3A_15 : memref<1x632x128xf32, #tpu.memory_space<hbm>> -> memref<632x128xf32, #tpu.memory_space<hbm>>
      %dma_start3A_17 = arith.constant 0 : i32
      %dma_start3A_18 = tpu.memref_slice %arg10[%mul3A_12, %dma_start3A_17] : memref<10112x128xf32, #tpu.memory_space<vmem_shared>> -> memref<632x128xf32, #tpu.memory_space<vmem_shared>>
      tpu.enqueue_dma source(%dma_start3A_18 : memref<632x128xf32, #tpu.memory_space<vmem_shared>>) target(%dma_start3A_16 : memref<632x128xf32, #tpu.memory_space<hbm>>) target_semaphore(%run_scoped3A : memref<!tpu.dma_semaphore, #tpu.memory_space<semaphore_mem>>)
      %dma_wait3A = arith.constant 0 : i32
      %dma_wait3A_19 = tpu.memref_slice %arg6[%arg0, %mul3A_14, %dma_wait3A] : memref<2x10112x128xf32, #tpu.memory_space<hbm>> -> memref<1x632x128xf32, #tpu.memory_space<hbm>>
      %dma_wait3A_20 = tpu.memref_squeeze %dma_wait3A_19 : memref<1x632x128xf32, #tpu.memory_space<hbm>> -> memref<632x128xf32, #tpu.memory_space<hbm>>
      %dma_wait3A_21 = arith.constant 0 : i32
      %dma_wait3A_22 = tpu.memref_slice %arg10[%mul3A_12, %dma_wait3A_21] : memref<10112x128xf32, #tpu.memory_space<vmem_shared>> -> memref<632x128xf32, #tpu.memory_space<vmem_shared>>
      tpu.wait_dma2 semaphore(%run_scoped3A : memref<!tpu.dma_semaphore, #tpu.memory_space<semaphore_mem>>) src(%dma_wait3A_22 : memref<632x128xf32, #tpu.memory_space<vmem_shared>>) dst(%dma_wait3A_20 : memref<632x128xf32, #tpu.memory_space<hbm>>)
      tpu.yield
    }) : () -> ()
    return
  }
}

#map = affine_map<(d0, d1) -> (0, 0)>
#map1 = affine_map<(d0, d1) -> (0)>
#map2 = affine_map<(d0, d1) -> (0, 0, 0)>
module attributes {stable_mosaic.version = 14 : i64} {
  func.func @agg_kernel(%arg0: i32, %arg1: i32, %arg2: memref<10000x128xf32, #tpu.memory_space<hbm>>, %arg3: memref<323584xi32, #tpu.memory_space<hbm>>, %arg4: memref<323584xi32, #tpu.memory_space<hbm>>, %arg5: memref<10112x128xf32, #tpu.memory_space<hbm>>, %arg6: memref<2x10112x128xf32, #tpu.memory_space<hbm>>, %arg7: memref<128xi32, #tpu.memory_space<vmem>>, %arg8: memref<128xi32, #tpu.memory_space<vmem>>, %arg9: memref<128x128xf32, #tpu.memory_space<vmem>>, %arg10: memref<10112x128xf32, #tpu.memory_space<vmem_shared>>, %arg11: memref<!tpu.dma_semaphore, #tpu.memory_space<semaphore_mem>>) attributes {dimension_semantics = [#tpu.dimension_semantics<core_parallel>, #tpu.dimension_semantics<subcore_parallel>], iteration_bounds = array<i64: 2, 16>, scalar_prefetch = 0 : i64, scratch_operands = 5 : i64, tpu.core_type = #tpu.core_type<sc_vector_subcore>, window_params = [{transform_indices = #map}, {transform_indices = #map1}, {transform_indices = #map1}, {transform_indices = #map}, {transform_indices = #map2}]} {
    %mul3A = arith.constant 16 : i32
    %mul3A_0 = arith.muli %arg0, %mul3A : i32
    %add3A = arith.addi %mul3A_0, %arg1 : i32
    %mul3A_1 = arith.constant 632 : i32
    %mul3A_2 = arith.muli %arg1, %mul3A_1 : i32
    %mul3A_3 = arith.constant 632 : i32
    %mul3A_4 = arith.muli %arg1, %mul3A_3 : i32
    "tpu.region"() ({
      %run_scoped3A = tpu.sem_alloc : memref<!tpu.dma_semaphore, #tpu.memory_space<semaphore_mem>>
      %dma_start3A = arith.constant 0 : i32
      %dma_start3A_15 = tpu.memref_slice %arg10[%mul3A_4, %dma_start3A] : memref<10112x128xf32, #tpu.memory_space<vmem_shared>> -> memref<632x128xf32, #tpu.memory_space<vmem_shared>>
      %dma_start3A_16 = arith.constant 0 : i32
      %dma_start3A_17 = tpu.memref_slice %arg5[%mul3A_2, %dma_start3A_16] : memref<10112x128xf32, #tpu.memory_space<hbm>> -> memref<632x128xf32, #tpu.memory_space<hbm>>
      tpu.enqueue_dma source(%dma_start3A_17 : memref<632x128xf32, #tpu.memory_space<hbm>>) target(%dma_start3A_15 : memref<632x128xf32, #tpu.memory_space<vmem_shared>>) target_semaphore(%run_scoped3A : memref<!tpu.dma_semaphore, #tpu.memory_space<semaphore_mem>>)
      %dma_wait3A = arith.constant 0 : i32
      %dma_wait3A_18 = tpu.memref_slice %arg10[%mul3A_4, %dma_wait3A] : memref<10112x128xf32, #tpu.memory_space<vmem_shared>> -> memref<632x128xf32, #tpu.memory_space<vmem_shared>>
      %dma_wait3A_19 = arith.constant 0 : i32
      %dma_wait3A_20 = tpu.memref_slice %arg5[%mul3A_2, %dma_wait3A_19] : memref<10112x128xf32, #tpu.memory_space<hbm>> -> memref<632x128xf32, #tpu.memory_space<hbm>>
      tpu.wait_dma2 semaphore(%run_scoped3A : memref<!tpu.dma_semaphore, #tpu.memory_space<semaphore_mem>>) src(%dma_wait3A_20 : memref<632x128xf32, #tpu.memory_space<hbm>>) dst(%dma_wait3A_18 : memref<632x128xf32, #tpu.memory_space<vmem_shared>>)
      tpu.yield
    }) : () -> ()
    %barrier3A = arith.constant 0 : index
    tpu.barrier barrier_id(%barrier3A)
    %scan3A = arith.constant 0 : i32
    %scan3A_5 = arith.constant 0 : i32
    %scan3A_6 = arith.constant 79 : i32
    %scan3A_7 = arith.addi %scan3A_5, %scan3A_6 : i32
    %scan3A_8 = arith.constant 1 : i32
    scf.for %scan3A_15 = %scan3A_5 to %scan3A_7 step %scan3A_8  : i32 {
      %mul3A_16 = arith.constant 79 : i32
      %mul3A_17 = arith.muli %add3A, %mul3A_16 : i32
      %add3A_18 = arith.addi %mul3A_17, %scan3A_15 : i32
      %mul3A_19 = arith.constant 128 : i32
      %mul3A_20 = arith.muli %add3A_18, %mul3A_19 : i32
      "tpu.region"() ({
        %run_scoped3A = tpu.sem_alloc : memref<!tpu.dma_semaphore, #tpu.memory_space<semaphore_mem>>
        %dma_start3A_25 = tpu.memref_slice %arg3[%mul3A_20] : memref<323584xi32, #tpu.memory_space<hbm>> -> memref<128xi32, #tpu.memory_space<hbm>>
        %dma_start3A_26 = tpu.memref_slice %arg3[%mul3A_20] : memref<323584xi32, #tpu.memory_space<hbm>> -> memref<128xi32, #tpu.memory_space<hbm>>
        tpu.enqueue_dma source(%dma_start3A_26 : memref<128xi32, #tpu.memory_space<hbm>>) target(%arg7 : memref<128xi32, #tpu.memory_space<vmem>>) target_semaphore(%run_scoped3A : memref<!tpu.dma_semaphore, #tpu.memory_space<semaphore_mem>>)
        %dma_wait3A_27 = tpu.memref_slice %arg3[%mul3A_20] : memref<323584xi32, #tpu.memory_space<hbm>> -> memref<128xi32, #tpu.memory_space<hbm>>
        %dma_wait3A_28 = tpu.memref_slice %arg3[%mul3A_20] : memref<323584xi32, #tpu.memory_space<hbm>> -> memref<128xi32, #tpu.memory_space<hbm>>
        tpu.wait_dma2 semaphore(%run_scoped3A : memref<!tpu.dma_semaphore, #tpu.memory_space<semaphore_mem>>) src(%dma_wait3A_28 : memref<128xi32, #tpu.memory_space<hbm>>) dst(%arg7 : memref<128xi32, #tpu.memory_space<vmem>>)
        tpu.yield
      }) : () -> ()
      "tpu.region"() ({
        %run_scoped3A = tpu.sem_alloc : memref<!tpu.dma_semaphore, #tpu.memory_space<semaphore_mem>>
        %dma_start3A_25 = tpu.memref_slice %arg4[%mul3A_20] : memref<323584xi32, #tpu.memory_space<hbm>> -> memref<128xi32, #tpu.memory_space<hbm>>
        %dma_start3A_26 = tpu.memref_slice %arg4[%mul3A_20] : memref<323584xi32, #tpu.memory_space<hbm>> -> memref<128xi32, #tpu.memory_space<hbm>>
        tpu.enqueue_dma source(%dma_start3A_26 : memref<128xi32, #tpu.memory_space<hbm>>) target(%arg8 : memref<128xi32, #tpu.memory_space<vmem>>) target_semaphore(%run_scoped3A : memref<!tpu.dma_semaphore, #tpu.memory_space<semaphore_mem>>)
        %dma_wait3A_27 = tpu.memref_slice %arg4[%mul3A_20] : memref<323584xi32, #tpu.memory_space<hbm>> -> memref<128xi32, #tpu.memory_space<hbm>>
        %dma_wait3A_28 = tpu.memref_slice %arg4[%mul3A_20] : memref<323584xi32, #tpu.memory_space<hbm>> -> memref<128xi32, #tpu.memory_space<hbm>>
        tpu.wait_dma2 semaphore(%run_scoped3A : memref<!tpu.dma_semaphore, #tpu.memory_space<semaphore_mem>>) src(%dma_wait3A_28 : memref<128xi32, #tpu.memory_space<hbm>>) dst(%arg8 : memref<128xi32, #tpu.memory_space<vmem>>)
        tpu.yield
      }) : () -> ()
      %dma_start3A = arith.constant 0 : i32
      %dma_start3A_21 = arith.constant 0 : i32
      %dma_start3A_22 = tpu.memref_slice %arg2[%dma_start3A, %dma_start3A_21] : memref<10000x128xf32, #tpu.memory_space<hbm>> -> memref<10000x128xf32, #tpu.memory_space<hbm>>
      tpu.enqueue_indirect_dma source(%dma_start3A_22 : memref<10000x128xf32, #tpu.memory_space<hbm>>) target(%arg9 : memref<128x128xf32, #tpu.memory_space<vmem>>) offsets(%arg7 : memref<128xi32, #tpu.memory_space<vmem>>) semaphore(%arg11 : memref<!tpu.dma_semaphore, #tpu.memory_space<semaphore_mem>>)
      %dma_wait3A = arith.constant 0 : i32
      %dma_wait3A_23 = arith.constant 0 : i32
      %dma_wait3A_24 = tpu.memref_slice %arg2[%dma_wait3A, %dma_wait3A_23] : memref<10000x128xf32, #tpu.memory_space<hbm>> -> memref<10000x128xf32, #tpu.memory_space<hbm>>
      tpu.wait_indirect_dma semaphore(%arg11 : memref<!tpu.dma_semaphore, #tpu.memory_space<semaphore_mem>>) src(%dma_wait3A_24 : memref<10000x128xf32, #tpu.memory_space<hbm>>) dst(%arg9 : memref<128x128xf32, #tpu.memory_space<vmem>>)
      "tpu.region"() ({
        %run_scoped3A = tpu.sem_alloc : memref<!tpu.dma_semaphore, #tpu.memory_space<semaphore_mem>>
        %dma_start3A_25 = arith.constant 0 : i32
        %dma_start3A_26 = arith.constant 0 : i32
        %dma_start3A_27 = tpu.memref_slice %arg10[%dma_start3A_25, %dma_start3A_26] : memref<10112x128xf32, #tpu.memory_space<vmem_shared>> -> memref<10112x128xf32, #tpu.memory_space<vmem_shared>>
        tpu.enqueue_indirect_dma source(%arg9 : memref<128x128xf32, #tpu.memory_space<vmem>>) target(%dma_start3A_27 : memref<10112x128xf32, #tpu.memory_space<vmem_shared>>) offsets(%arg8 : memref<128xi32, #tpu.memory_space<vmem>>) semaphore(%run_scoped3A : memref<!tpu.dma_semaphore, #tpu.memory_space<semaphore_mem>>) {add = true}
        %dma_wait3A_28 = arith.constant 0 : i32
        %dma_wait3A_29 = arith.constant 0 : i32
        %dma_wait3A_30 = tpu.memref_slice %arg10[%dma_wait3A_28, %dma_wait3A_29] : memref<10112x128xf32, #tpu.memory_space<vmem_shared>> -> memref<10112x128xf32, #tpu.memory_space<vmem_shared>>
        tpu.wait_indirect_dma semaphore(%run_scoped3A : memref<!tpu.dma_semaphore, #tpu.memory_space<semaphore_mem>>) src(%arg9 : memref<128x128xf32, #tpu.memory_space<vmem>>) dst(%dma_wait3A_30 : memref<10112x128xf32, #tpu.memory_space<vmem_shared>>)
        tpu.yield
      }) : () -> ()
    }
    %scan3A_9 = arith.constant 79 : i32
    %barrier3A_10 = arith.constant 0 : index
    tpu.barrier barrier_id(%barrier3A_10)
    %mul3A_11 = arith.constant 632 : i32
    %mul3A_12 = arith.muli %arg1, %mul3A_11 : i32
    %mul3A_13 = arith.constant 632 : i32
    %mul3A_14 = arith.muli %arg1, %mul3A_13 : i32
    "tpu.region"() ({
      %run_scoped3A = tpu.sem_alloc : memref<!tpu.dma_semaphore, #tpu.memory_space<semaphore_mem>>
      %dma_start3A = arith.constant 0 : i32
      %dma_start3A_15 = tpu.memref_slice %arg6[%arg0, %mul3A_14, %dma_start3A] : memref<2x10112x128xf32, #tpu.memory_space<hbm>> -> memref<1x632x128xf32, #tpu.memory_space<hbm>>
      %dma_start3A_16 = tpu.memref_squeeze %dma_start3A_15 : memref<1x632x128xf32, #tpu.memory_space<hbm>> -> memref<632x128xf32, #tpu.memory_space<hbm>>
      %dma_start3A_17 = arith.constant 0 : i32
      %dma_start3A_18 = tpu.memref_slice %arg10[%mul3A_12, %dma_start3A_17] : memref<10112x128xf32, #tpu.memory_space<vmem_shared>> -> memref<632x128xf32, #tpu.memory_space<vmem_shared>>
      tpu.enqueue_dma source(%dma_start3A_18 : memref<632x128xf32, #tpu.memory_space<vmem_shared>>) target(%dma_start3A_16 : memref<632x128xf32, #tpu.memory_space<hbm>>) target_semaphore(%run_scoped3A : memref<!tpu.dma_semaphore, #tpu.memory_space<semaphore_mem>>)
      %dma_wait3A = arith.constant 0 : i32
      %dma_wait3A_19 = tpu.memref_slice %arg6[%arg0, %mul3A_14, %dma_wait3A] : memref<2x10112x128xf32, #tpu.memory_space<hbm>> -> memref<1x632x128xf32, #tpu.memory_space<hbm>>
      %dma_wait3A_20 = tpu.memref_squeeze %dma_wait3A_19 : memref<1x632x128xf32, #tpu.memory_space<hbm>> -> memref<632x128xf32, #tpu.memory_space<hbm>>
      %dma_wait3A_21 = arith.constant 0 : i32
      %dma_wait3A_22 = tpu.memref_slice %arg10[%mul3A_12, %dma_wait3A_21] : memref<10112x128xf32, #tpu.memory_space<vmem_shared>> -> memref<632x128xf32, #tpu.memory_space<vmem_shared>>
      tpu.wait_dma2 semaphore(%run_scoped3A : memref<!tpu.dma_semaphore, #tpu.memory_space<semaphore_mem>>) src(%dma_wait3A_22 : memref<632x128xf32, #tpu.memory_space<vmem_shared>>) dst(%dma_wait3A_20 : memref<632x128xf32, #tpu.memory_space<hbm>>)
      tpu.yield
    }) : () -> ()
    return
  }
}

#map = affine_map<(d0, d1) -> (0)>
#map1 = affine_map<(d0, d1) -> (0, 0, 0)>
module attributes {stable_mosaic.version = 14 : i64} {
  func.func @deg_kernel(%arg0: i32, %arg1: i32, %arg2: memref<323584xi32, #tpu.memory_space<hbm>>, %arg3: memref<32x1x10112xf32, #tpu.memory_space<hbm>>, %arg4: memref<10112xi32, #tpu.memory_space<vmem>>, %arg5: memref<10112xf32, #tpu.memory_space<vmem>>) attributes {dimension_semantics = [#tpu.dimension_semantics<core_parallel>, #tpu.dimension_semantics<subcore_parallel>], iteration_bounds = array<i64: 2, 16>, scalar_prefetch = 0 : i64, scratch_operands = 2 : i64, tpu.core_type = #tpu.core_type<sc_vector_subcore>, window_params = [{transform_indices = #map}, {transform_indices = #map1}]} {
    %mul3A = arith.constant 16 : i32
    %mul3A_0 = arith.muli %arg0, %mul3A : i32
    %add3A = arith.addi %mul3A_0, %arg1 : i32
    %mul3A_1 = arith.constant 10112 : i32
    %mul3A_2 = arith.muli %add3A, %mul3A_1 : i32
    "tpu.region"() ({
      %run_scoped3A_15 = tpu.sem_alloc : memref<!tpu.dma_semaphore, #tpu.memory_space<semaphore_mem>>
      %dma_start3A = tpu.memref_slice %arg2[%mul3A_2] : memref<323584xi32, #tpu.memory_space<hbm>> -> memref<10112xi32, #tpu.memory_space<hbm>>
      %dma_start3A_16 = tpu.memref_slice %arg2[%mul3A_2] : memref<323584xi32, #tpu.memory_space<hbm>> -> memref<10112xi32, #tpu.memory_space<hbm>>
      tpu.enqueue_dma source(%dma_start3A_16 : memref<10112xi32, #tpu.memory_space<hbm>>) target(%arg4 : memref<10112xi32, #tpu.memory_space<vmem>>) target_semaphore(%run_scoped3A_15 : memref<!tpu.dma_semaphore, #tpu.memory_space<semaphore_mem>>)
      %dma_wait3A = tpu.memref_slice %arg2[%mul3A_2] : memref<323584xi32, #tpu.memory_space<hbm>> -> memref<10112xi32, #tpu.memory_space<hbm>>
      %dma_wait3A_17 = tpu.memref_slice %arg2[%mul3A_2] : memref<323584xi32, #tpu.memory_space<hbm>> -> memref<10112xi32, #tpu.memory_space<hbm>>
      tpu.wait_dma2 semaphore(%run_scoped3A_15 : memref<!tpu.dma_semaphore, #tpu.memory_space<semaphore_mem>>) src(%dma_wait3A_17 : memref<10112xi32, #tpu.memory_space<hbm>>) dst(%arg4 : memref<10112xi32, #tpu.memory_space<vmem>>)
      tpu.yield
    }) : () -> ()
    %scan3A = arith.constant 0 : i32
    %scan3A_3 = arith.constant 0 : i32
    %scan3A_4 = arith.constant 632 : i32
    %scan3A_5 = arith.addi %scan3A_3, %scan3A_4 : i32
    %scan3A_6 = arith.constant 1 : i32
    scf.for %scan3A_15 = %scan3A_3 to %scan3A_5 step %scan3A_6  : i32 {
      %broadcast_in_dim3A_16 = arith.constant 0.000000e+00 : f32
      %broadcast_in_dim3A_17 = vector.broadcast %broadcast_in_dim3A_16 : f32 to vector<16xf32>
      %mul3A_18 = arith.constant 16 : i32
      %mul3A_19 = arith.muli %scan3A_15, %mul3A_18 : i32
      %swap3A = arith.index_cast %mul3A_19 : i32 to index
      %swap3A_20 = tpu.vector_load %arg5[%swap3A] {strides = array<i32>} : memref<10112xf32, #tpu.memory_space<vmem>>, vector<16xf32>,
      tpu.vector_store %arg5[%swap3A], %broadcast_in_dim3A_17 {strides = array<i32>} : memref<10112xf32, #tpu.memory_space<vmem>>, vector<16xf32>,
    }
    %scan3A_7 = arith.constant 632 : i32
    %broadcast_in_dim3A = arith.constant 1.000000e+00 : f32
    %broadcast_in_dim3A_8 = vector.broadcast %broadcast_in_dim3A : f32 to vector<16xf32>
    %scan3A_9 = arith.constant 0 : i32
    %scan3A_10 = arith.constant 0 : i32
    %scan3A_11 = arith.constant 632 : i32
    %scan3A_12 = arith.addi %scan3A_10, %scan3A_11 : i32
    %scan3A_13 = arith.constant 1 : i32
    scf.for %scan3A_15 = %scan3A_10 to %scan3A_12 step %scan3A_13  : i32 {
      %mul3A_16 = arith.constant 16 : i32
      %mul3A_17 = arith.muli %scan3A_15, %mul3A_16 : i32
      %get3A = arith.index_cast %mul3A_17 : i32 to index
      %get3A_18 = tpu.vector_load %arg4[%get3A] {strides = array<i32>} : memref<10112xi32, #tpu.memory_space<vmem>>, vector<16xi32>,
      tpu.vector_store_idx %arg5[%get3A_18], %broadcast_in_dim3A_8 {add = true} : memref<10112xf32, #tpu.memory_space<vmem>>[vector<16xi32>], vector<16xf32>,
    }
    %scan3A_14 = arith.constant 632 : i32
    %run_scoped3A = arith.constant 0 : i32
    "tpu.region"() ({
      %run_scoped3A_15 = tpu.sem_alloc : memref<!tpu.dma_semaphore, #tpu.memory_space<semaphore_mem>>
      %dma_start3A = arith.constant 0 : i32
      %dma_start3A_16 = tpu.memref_slice %arg3[%add3A, %run_scoped3A, %dma_start3A] : memref<32x1x10112xf32, #tpu.memory_space<hbm>> -> memref<1x1x10112xf32, #tpu.memory_space<hbm>>
      %dma_start3A_17 = tpu.memref_squeeze %dma_start3A_16 : memref<1x1x10112xf32, #tpu.memory_space<hbm>> -> memref<10112xf32, #tpu.memory_space<hbm>>
      %dma_start3A_18 = arith.constant 0 : i32
      %dma_start3A_19 = tpu.memref_slice %arg3[%add3A, %run_scoped3A, %dma_start3A_18] : memref<32x1x10112xf32, #tpu.memory_space<hbm>> -> memref<1x1x10112xf32, #tpu.memory_space<hbm>>
      %dma_start3A_20 = tpu.memref_squeeze %dma_start3A_19 : memref<1x1x10112xf32, #tpu.memory_space<hbm>> -> memref<10112xf32, #tpu.memory_space<hbm>>
      tpu.enqueue_dma source(%arg5 : memref<10112xf32, #tpu.memory_space<vmem>>) target(%dma_start3A_20 : memref<10112xf32, #tpu.memory_space<hbm>>) target_semaphore(%run_scoped3A_15 : memref<!tpu.dma_semaphore, #tpu.memory_space<semaphore_mem>>)
      %dma_wait3A = arith.constant 0 : i32
      %dma_wait3A_21 = tpu.memref_slice %arg3[%add3A, %run_scoped3A, %dma_wait3A] : memref<32x1x10112xf32, #tpu.memory_space<hbm>> -> memref<1x1x10112xf32, #tpu.memory_space<hbm>>
      %dma_wait3A_22 = tpu.memref_squeeze %dma_wait3A_21 : memref<1x1x10112xf32, #tpu.memory_space<hbm>> -> memref<10112xf32, #tpu.memory_space<hbm>>
      %dma_wait3A_23 = arith.constant 0 : i32
      %dma_wait3A_24 = tpu.memref_slice %arg3[%add3A, %run_scoped3A, %dma_wait3A_23] : memref<32x1x10112xf32, #tpu.memory_space<hbm>> -> memref<1x1x10112xf32, #tpu.memory_space<hbm>>
      %dma_wait3A_25 = tpu.memref_squeeze %dma_wait3A_24 : memref<1x1x10112xf32, #tpu.memory_space<hbm>> -> memref<10112xf32, #tpu.memory_space<hbm>>
      tpu.wait_dma2 semaphore(%run_scoped3A_15 : memref<!tpu.dma_semaphore, #tpu.memory_space<semaphore_mem>>) src(%arg5 : memref<10112xf32, #tpu.memory_space<vmem>>) dst(%dma_wait3A_25 : memref<10112xf32, #tpu.memory_space<hbm>>)
      tpu.yield
    }) : () -> ()
    return
  }
}

#map = affine_map<(d0, d1) -> (0, 0)>
#map1 = affine_map<(d0, d1) -> (0)>
#map2 = affine_map<(d0, d1) -> (0, 0, 0)>
module attributes {stable_mosaic.version = 14 : i64} {
  func.func @agg_kernel(%arg0: i32, %arg1: i32, %arg2: memref<10000x128xf32, #tpu.memory_space<hbm>>, %arg3: memref<323584xi32, #tpu.memory_space<hbm>>, %arg4: memref<323584xi32, #tpu.memory_space<hbm>>, %arg5: memref<10112x128xf32, #tpu.memory_space<hbm>>, %arg6: memref<2x10112x128xf32, #tpu.memory_space<hbm>>, %arg7: memref<128xi32, #tpu.memory_space<vmem>>, %arg8: memref<128xi32, #tpu.memory_space<vmem>>, %arg9: memref<128x128xf32, #tpu.memory_space<vmem>>, %arg10: memref<10112x128xf32, #tpu.memory_space<vmem_shared>>, %arg11: memref<!tpu.dma_semaphore, #tpu.memory_space<semaphore_mem>>) attributes {dimension_semantics = [#tpu.dimension_semantics<core_parallel>, #tpu.dimension_semantics<subcore_parallel>], iteration_bounds = array<i64: 2, 16>, scalar_prefetch = 0 : i64, scratch_operands = 5 : i64, tpu.core_type = #tpu.core_type<sc_vector_subcore>, window_params = [{transform_indices = #map}, {transform_indices = #map1}, {transform_indices = #map1}, {transform_indices = #map}, {transform_indices = #map2}]} {
    %mul3A = arith.constant 16 : i32
    %mul3A_0 = arith.muli %arg0, %mul3A : i32
    %add3A = arith.addi %mul3A_0, %arg1 : i32
    %mul3A_1 = arith.constant 632 : i32
    %mul3A_2 = arith.muli %arg1, %mul3A_1 : i32
    %mul3A_3 = arith.constant 632 : i32
    %mul3A_4 = arith.muli %arg1, %mul3A_3 : i32
    "tpu.region"() ({
      %run_scoped3A = tpu.sem_alloc : memref<!tpu.dma_semaphore, #tpu.memory_space<semaphore_mem>>
      %dma_start3A = arith.constant 0 : i32
      %dma_start3A_15 = tpu.memref_slice %arg10[%mul3A_4, %dma_start3A] : memref<10112x128xf32, #tpu.memory_space<vmem_shared>> -> memref<632x128xf32, #tpu.memory_space<vmem_shared>>
      %dma_start3A_16 = arith.constant 0 : i32
      %dma_start3A_17 = tpu.memref_slice %arg5[%mul3A_2, %dma_start3A_16] : memref<10112x128xf32, #tpu.memory_space<hbm>> -> memref<632x128xf32, #tpu.memory_space<hbm>>
      tpu.enqueue_dma source(%dma_start3A_17 : memref<632x128xf32, #tpu.memory_space<hbm>>) target(%dma_start3A_15 : memref<632x128xf32, #tpu.memory_space<vmem_shared>>) target_semaphore(%run_scoped3A : memref<!tpu.dma_semaphore, #tpu.memory_space<semaphore_mem>>)
      %dma_wait3A = arith.constant 0 : i32
      %dma_wait3A_18 = tpu.memref_slice %arg10[%mul3A_4, %dma_wait3A] : memref<10112x128xf32, #tpu.memory_space<vmem_shared>> -> memref<632x128xf32, #tpu.memory_space<vmem_shared>>
      %dma_wait3A_19 = arith.constant 0 : i32
      %dma_wait3A_20 = tpu.memref_slice %arg5[%mul3A_2, %dma_wait3A_19] : memref<10112x128xf32, #tpu.memory_space<hbm>> -> memref<632x128xf32, #tpu.memory_space<hbm>>
      tpu.wait_dma2 semaphore(%run_scoped3A : memref<!tpu.dma_semaphore, #tpu.memory_space<semaphore_mem>>) src(%dma_wait3A_20 : memref<632x128xf32, #tpu.memory_space<hbm>>) dst(%dma_wait3A_18 : memref<632x128xf32, #tpu.memory_space<vmem_shared>>)
      tpu.yield
    }) : () -> ()
    %barrier3A = arith.constant 0 : index
    tpu.barrier barrier_id(%barrier3A)
    %scan3A = arith.constant 0 : i32
    %scan3A_5 = arith.constant 0 : i32
    %scan3A_6 = arith.constant 79 : i32
    %scan3A_7 = arith.addi %scan3A_5, %scan3A_6 : i32
    %scan3A_8 = arith.constant 1 : i32
    scf.for %scan3A_15 = %scan3A_5 to %scan3A_7 step %scan3A_8  : i32 {
      %mul3A_16 = arith.constant 79 : i32
      %mul3A_17 = arith.muli %add3A, %mul3A_16 : i32
      %add3A_18 = arith.addi %mul3A_17, %scan3A_15 : i32
      %mul3A_19 = arith.constant 128 : i32
      %mul3A_20 = arith.muli %add3A_18, %mul3A_19 : i32
      "tpu.region"() ({
        %run_scoped3A = tpu.sem_alloc : memref<!tpu.dma_semaphore, #tpu.memory_space<semaphore_mem>>
        %dma_start3A_25 = tpu.memref_slice %arg3[%mul3A_20] : memref<323584xi32, #tpu.memory_space<hbm>> -> memref<128xi32, #tpu.memory_space<hbm>>
        %dma_start3A_26 = tpu.memref_slice %arg3[%mul3A_20] : memref<323584xi32, #tpu.memory_space<hbm>> -> memref<128xi32, #tpu.memory_space<hbm>>
        tpu.enqueue_dma source(%dma_start3A_26 : memref<128xi32, #tpu.memory_space<hbm>>) target(%arg7 : memref<128xi32, #tpu.memory_space<vmem>>) target_semaphore(%run_scoped3A : memref<!tpu.dma_semaphore, #tpu.memory_space<semaphore_mem>>)
        %dma_wait3A_27 = tpu.memref_slice %arg3[%mul3A_20] : memref<323584xi32, #tpu.memory_space<hbm>> -> memref<128xi32, #tpu.memory_space<hbm>>
        %dma_wait3A_28 = tpu.memref_slice %arg3[%mul3A_20] : memref<323584xi32, #tpu.memory_space<hbm>> -> memref<128xi32, #tpu.memory_space<hbm>>
        tpu.wait_dma2 semaphore(%run_scoped3A : memref<!tpu.dma_semaphore, #tpu.memory_space<semaphore_mem>>) src(%dma_wait3A_28 : memref<128xi32, #tpu.memory_space<hbm>>) dst(%arg7 : memref<128xi32, #tpu.memory_space<vmem>>)
        tpu.yield
      }) : () -> ()
      "tpu.region"() ({
        %run_scoped3A = tpu.sem_alloc : memref<!tpu.dma_semaphore, #tpu.memory_space<semaphore_mem>>
        %dma_start3A_25 = tpu.memref_slice %arg4[%mul3A_20] : memref<323584xi32, #tpu.memory_space<hbm>> -> memref<128xi32, #tpu.memory_space<hbm>>
        %dma_start3A_26 = tpu.memref_slice %arg4[%mul3A_20] : memref<323584xi32, #tpu.memory_space<hbm>> -> memref<128xi32, #tpu.memory_space<hbm>>
        tpu.enqueue_dma source(%dma_start3A_26 : memref<128xi32, #tpu.memory_space<hbm>>) target(%arg8 : memref<128xi32, #tpu.memory_space<vmem>>) target_semaphore(%run_scoped3A : memref<!tpu.dma_semaphore, #tpu.memory_space<semaphore_mem>>)
        %dma_wait3A_27 = tpu.memref_slice %arg4[%mul3A_20] : memref<323584xi32, #tpu.memory_space<hbm>> -> memref<128xi32, #tpu.memory_space<hbm>>
        %dma_wait3A_28 = tpu.memref_slice %arg4[%mul3A_20] : memref<323584xi32, #tpu.memory_space<hbm>> -> memref<128xi32, #tpu.memory_space<hbm>>
        tpu.wait_dma2 semaphore(%run_scoped3A : memref<!tpu.dma_semaphore, #tpu.memory_space<semaphore_mem>>) src(%dma_wait3A_28 : memref<128xi32, #tpu.memory_space<hbm>>) dst(%arg8 : memref<128xi32, #tpu.memory_space<vmem>>)
        tpu.yield
      }) : () -> ()
      %dma_start3A = arith.constant 0 : i32
      %dma_start3A_21 = arith.constant 0 : i32
      %dma_start3A_22 = tpu.memref_slice %arg2[%dma_start3A, %dma_start3A_21] : memref<10000x128xf32, #tpu.memory_space<hbm>> -> memref<10000x128xf32, #tpu.memory_space<hbm>>
      tpu.enqueue_indirect_dma source(%dma_start3A_22 : memref<10000x128xf32, #tpu.memory_space<hbm>>) target(%arg9 : memref<128x128xf32, #tpu.memory_space<vmem>>) offsets(%arg7 : memref<128xi32, #tpu.memory_space<vmem>>) semaphore(%arg11 : memref<!tpu.dma_semaphore, #tpu.memory_space<semaphore_mem>>)
      %dma_wait3A = arith.constant 0 : i32
      %dma_wait3A_23 = arith.constant 0 : i32
      %dma_wait3A_24 = tpu.memref_slice %arg2[%dma_wait3A, %dma_wait3A_23] : memref<10000x128xf32, #tpu.memory_space<hbm>> -> memref<10000x128xf32, #tpu.memory_space<hbm>>
      tpu.wait_indirect_dma semaphore(%arg11 : memref<!tpu.dma_semaphore, #tpu.memory_space<semaphore_mem>>) src(%dma_wait3A_24 : memref<10000x128xf32, #tpu.memory_space<hbm>>) dst(%arg9 : memref<128x128xf32, #tpu.memory_space<vmem>>)
      "tpu.region"() ({
        %run_scoped3A = tpu.sem_alloc : memref<!tpu.dma_semaphore, #tpu.memory_space<semaphore_mem>>
        %dma_start3A_25 = arith.constant 0 : i32
        %dma_start3A_26 = arith.constant 0 : i32
        %dma_start3A_27 = tpu.memref_slice %arg10[%dma_start3A_25, %dma_start3A_26] : memref<10112x128xf32, #tpu.memory_space<vmem_shared>> -> memref<10112x128xf32, #tpu.memory_space<vmem_shared>>
        tpu.enqueue_indirect_dma source(%arg9 : memref<128x128xf32, #tpu.memory_space<vmem>>) target(%dma_start3A_27 : memref<10112x128xf32, #tpu.memory_space<vmem_shared>>) offsets(%arg8 : memref<128xi32, #tpu.memory_space<vmem>>) semaphore(%run_scoped3A : memref<!tpu.dma_semaphore, #tpu.memory_space<semaphore_mem>>) {add = true}
        %dma_wait3A_28 = arith.constant 0 : i32
        %dma_wait3A_29 = arith.constant 0 : i32
        %dma_wait3A_30 = tpu.memref_slice %arg10[%dma_wait3A_28, %dma_wait3A_29] : memref<10112x128xf32, #tpu.memory_space<vmem_shared>> -> memref<10112x128xf32, #tpu.memory_space<vmem_shared>>
        tpu.wait_indirect_dma semaphore(%run_scoped3A : memref<!tpu.dma_semaphore, #tpu.memory_space<semaphore_mem>>) src(%arg9 : memref<128x128xf32, #tpu.memory_space<vmem>>) dst(%dma_wait3A_30 : memref<10112x128xf32, #tpu.memory_space<vmem_shared>>)
        tpu.yield
      }) : () -> ()
    }
    %scan3A_9 = arith.constant 79 : i32
    %barrier3A_10 = arith.constant 0 : index
    tpu.barrier barrier_id(%barrier3A_10)
    %mul3A_11 = arith.constant 632 : i32
    %mul3A_12 = arith.muli %arg1, %mul3A_11 : i32
    %mul3A_13 = arith.constant 632 : i32
    %mul3A_14 = arith.muli %arg1, %mul3A_13 : i32
    "tpu.region"() ({
      %run_scoped3A = tpu.sem_alloc : memref<!tpu.dma_semaphore, #tpu.memory_space<semaphore_mem>>
      %dma_start3A = arith.constant 0 : i32
      %dma_start3A_15 = tpu.memref_slice %arg6[%arg0, %mul3A_14, %dma_start3A] : memref<2x10112x128xf32, #tpu.memory_space<hbm>> -> memref<1x632x128xf32, #tpu.memory_space<hbm>>
      %dma_start3A_16 = tpu.memref_squeeze %dma_start3A_15 : memref<1x632x128xf32, #tpu.memory_space<hbm>> -> memref<632x128xf32, #tpu.memory_space<hbm>>
      %dma_start3A_17 = arith.constant 0 : i32
      %dma_start3A_18 = tpu.memref_slice %arg10[%mul3A_12, %dma_start3A_17] : memref<10112x128xf32, #tpu.memory_space<vmem_shared>> -> memref<632x128xf32, #tpu.memory_space<vmem_shared>>
      tpu.enqueue_dma source(%dma_start3A_18 : memref<632x128xf32, #tpu.memory_space<vmem_shared>>) target(%dma_start3A_16 : memref<632x128xf32, #tpu.memory_space<hbm>>) target_semaphore(%run_scoped3A : memref<!tpu.dma_semaphore, #tpu.memory_space<semaphore_mem>>)
      %dma_wait3A = arith.constant 0 : i32
      %dma_wait3A_19 = tpu.memref_slice %arg6[%arg0, %mul3A_14, %dma_wait3A] : memref<2x10112x128xf32, #tpu.memory_space<hbm>> -> memref<1x632x128xf32, #tpu.memory_space<hbm>>
      %dma_wait3A_20 = tpu.memref_squeeze %dma_wait3A_19 : memref<1x632x128xf32, #tpu.memory_space<hbm>> -> memref<632x128xf32, #tpu.memory_space<hbm>>
      %dma_wait3A_21 = arith.constant 0 : i32
      %dma_wait3A_22 = tpu.memref_slice %arg10[%mul3A_12, %dma_wait3A_21] : memref<10112x128xf32, #tpu.memory_space<vmem_shared>> -> memref<632x128xf32, #tpu.memory_space<vmem_shared>>
      tpu.wait_dma2 semaphore(%run_scoped3A : memref<!tpu.dma_semaphore, #tpu.memory_space<semaphore_mem>>) src(%dma_wait3A_22 : memref<632x128xf32, #tpu.memory_space<vmem_shared>>) dst(%dma_wait3A_20 : memref<632x128xf32, #tpu.memory_space<hbm>>)
      tpu.yield
    }) : () -> ()
    return
  }
}

module attributes {stable_mosaic.version = 14 : i64} {
  func.func @_tc_first_body(%arg0: memref<32x10000xf32, #tpu.memory_space<vmem>>, %arg1: memref<10000x128xf32, #tpu.memory_space<vmem>>, %arg2: memref<128x128xf32, #tpu.memory_space<vmem>>, %arg3: memref<10000x1xf32, #tpu.memory_space<vmem>>, %arg4: memref<10000x128xf32, #tpu.memory_space<vmem>>) attributes {dimension_semantics = [], scalar_prefetch = 0 : i64, scratch_operands = 0 : i64, tpu.core_type = #tpu.core_type<tc>} {
    %broadcast_in_dim3A = arith.constant 1.000000e+00 : f32
    %broadcast_in_dim3A_0 = vector.broadcast %broadcast_in_dim3A : f32 to vector<32x1xf32>
    %get3A = arith.constant 0 : index
    %get3A_1 = arith.constant 0 : index
    %get3A_2 = vector.load %arg0[%get3A, %get3A_1] : memref<32x10000xf32, #tpu.memory_space<vmem>>, vector<32x10000xf32>
    %dot_general3A = arith.constant dense<0.000000e+00> : vector<10000x1xf32>
    %dot_general3A_3 = tpu.matmul %get3A_2, %broadcast_in_dim3A_0, %dot_general3A {dimension_numbers = #tpu.dot_dimension_numbers<[0], [0], [1], [1], [0, 1, 1, 1], [], []>, transpose_lhs_hint = false} : vector<32x10000xf32>, vector<32x1xf32>, vector<10000x1xf32> -> vector<10000x1xf32>
    %add3A = arith.constant 1.000000e+00 : f32
    %add3A_4 = vector.broadcast %add3A : f32 to vector<10000x1xf32>
    %add3A_5 = arith.addf %add3A_4, %dot_general3A_3 : vector<10000x1xf32>
    %rsqrt3A = math.rsqrt %add3A_5 : vector<10000x1xf32>
    %get3A_6 = arith.constant 0 : index
    %get3A_7 = arith.constant 0 : index
    %get3A_8 = vector.load %arg1[%get3A_6, %get3A_7] : memref<10000x128xf32, #tpu.memory_space<vmem>>, vector<10000x128xf32>
    %get3A_9 = arith.constant 0 : index
    %get3A_10 = arith.constant 0 : index
    %get3A_11 = vector.load %arg2[%get3A_9, %get3A_10] : memref<128x128xf32, #tpu.memory_space<vmem>>, vector<128x128xf32>
    %dot_general3A_12 = arith.constant dense<0.000000e+00> : vector<10000x128xf32>
    %dot_general3A_13 = tpu.matmul %get3A_8, %get3A_11, %dot_general3A_12 {dimension_numbers = #tpu.dot_dimension_numbers<[1], [0], [0], [1], [0, 0, 1, 1], [], []>, transpose_lhs_hint = false} : vector<10000x128xf32>, vector<128x128xf32>, vector<10000x128xf32> -> vector<10000x128xf32>
    %swap3A = arith.constant 0 : index
    %swap3A_14 = arith.constant 0 : index
    %swap3A_15 = vector.load %arg3[%swap3A, %swap3A_14] : memref<10000x1xf32, #tpu.memory_space<vmem>>, vector<10000x1xf32>
    tpu.vector_store %arg3[%swap3A, %swap3A_14], %rsqrt3A {strides = array<i32>} : memref<10000x1xf32, #tpu.memory_space<vmem>>, vector<10000x1xf32>,
    %mul3A = vector.broadcast %rsqrt3A : vector<10000x1xf32> to vector<10000x128xf32>
    %mul3A_16 = arith.mulf %dot_general3A_13, %mul3A : vector<10000x128xf32>
    %swap3A_17 = arith.constant 0 : index
    %swap3A_18 = arith.constant 0 : index
    %swap3A_19 = vector.load %arg4[%swap3A_17, %swap3A_18] : memref<10000x128xf32, #tpu.memory_space<vmem>>, vector<10000x128xf32>
    tpu.vector_store %arg4[%swap3A_17, %swap3A_18], %mul3A_16 {strides = array<i32>} : memref<10000x128xf32, #tpu.memory_space<vmem>>, vector<10000x128xf32>,
    return
  }
}

module attributes {stable_mosaic.version = 14 : i64} {
  func.func @_tc_mid_body(%arg0: memref<10000x128xf32, #tpu.memory_space<vmem>>, %arg1: memref<10000x128xf32, #tpu.memory_space<vmem>>, %arg2: memref<10000x128xf32, #tpu.memory_space<vmem>>, %arg3: memref<10000x1xf32, #tpu.memory_space<vmem>>, %arg4: memref<1x128xf32, #tpu.memory_space<vmem>>, %arg5: memref<1x128xf32, #tpu.memory_space<vmem>>, %arg6: memref<1x128xf32, #tpu.memory_space<vmem>>, %arg7: memref<128x128xf32, #tpu.memory_space<vmem>>, %arg8: memref<10000x128xf32, #tpu.memory_space<vmem>>) attributes {dimension_semantics = [], scalar_prefetch = 0 : i64, scratch_operands = 0 : i64, tpu.core_type = #tpu.core_type<tc>} {
    %get3A = arith.constant 0 : index
    %get3A_0 = arith.constant 0 : index
    %get3A_1 = vector.load %arg3[%get3A, %get3A_0] : memref<10000x1xf32, #tpu.memory_space<vmem>>, vector<10000x1xf32>
    %get3A_2 = arith.constant 0 : index
    %get3A_3 = arith.constant 0 : index
    %get3A_4 = vector.load %arg0[%get3A_2, %get3A_3] : memref<10000x128xf32, #tpu.memory_space<vmem>>, vector<10000x128xf32>
    %get3A_5 = arith.constant 0 : index
    %get3A_6 = arith.constant 0 : index
    %get3A_7 = vector.load %arg1[%get3A_5, %get3A_6] : memref<10000x128xf32, #tpu.memory_space<vmem>>, vector<10000x128xf32>
    %add3A = arith.addf %get3A_4, %get3A_7 : vector<10000x128xf32>
    %get3A_8 = arith.constant 0 : index
    %get3A_9 = arith.constant 0 : index
    %get3A_10 = vector.load %arg2[%get3A_8, %get3A_9] : memref<10000x128xf32, #tpu.memory_space<vmem>>, vector<10000x128xf32>
    %add3A_11 = arith.addf %add3A, %get3A_10 : vector<10000x128xf32>
    %mul3A = vector.broadcast %get3A_1 : vector<10000x1xf32> to vector<10000x128xf32>
    %mul3A_12 = arith.mulf %mul3A, %add3A_11 : vector<10000x128xf32>
    %get3A_13 = arith.constant 0 : index
    %get3A_14 = arith.constant 0 : index
    %get3A_15 = vector.load %arg4[%get3A_13, %get3A_14] : memref<1x128xf32, #tpu.memory_space<vmem>>, vector<1x128xf32>
    %add3A_16 = vector.broadcast %get3A_15 : vector<1x128xf32> to vector<10000x128xf32>
    %add3A_17 = arith.addf %mul3A_12, %add3A_16 : vector<10000x128xf32>
    %reduce_sum3A = arith.constant dense<0.000000e+00> : vector<128xf32>
    %reduce_sum3A_18 = vector.multi_reduction <add>, %add3A_17, %reduce_sum3A [0] : vector<10000x128xf32> to vector<128xf32>
    %broadcast_in_dim3A = vector.shape_cast %reduce_sum3A_18 : vector<128xf32> to vector<1x128xf32>
    %div3A = arith.constant 1.000000e+04 : f32
    %div3A_19 = vector.broadcast %div3A : f32 to vector<1x128xf32>
    %div3A_20 = arith.divf %broadcast_in_dim3A, %div3A_19 : vector<1x128xf32>
    %sub3A = vector.broadcast %div3A_20 : vector<1x128xf32> to vector<10000x128xf32>
    %sub3A_21 = arith.subf %add3A_17, %sub3A : vector<10000x128xf32>
    %mul3A_22 = arith.mulf %sub3A_21, %sub3A_21 : vector<10000x128xf32>
    %reduce_sum3A_23 = arith.constant dense<0.000000e+00> : vector<128xf32>
    %reduce_sum3A_24 = vector.multi_reduction <add>, %mul3A_22, %reduce_sum3A_23 [0] : vector<10000x128xf32> to vector<128xf32>
    %broadcast_in_dim3A_25 = vector.shape_cast %reduce_sum3A_24 : vector<128xf32> to vector<1x128xf32>
    %div3A_26 = arith.constant 1.000000e+04 : f32
    %div3A_27 = vector.broadcast %div3A_26 : f32 to vector<1x128xf32>
    %div3A_28 = arith.divf %broadcast_in_dim3A_25, %div3A_27 : vector<1x128xf32>
    %add3A_29 = arith.constant 9.99999974E-6 : f32
    %add3A_30 = vector.broadcast %add3A_29 : f32 to vector<1x128xf32>
    %add3A_31 = arith.addf %div3A_28, %add3A_30 : vector<1x128xf32>
    %rsqrt3A = math.rsqrt %add3A_31 : vector<1x128xf32>
    %mul3A_32 = vector.broadcast %rsqrt3A : vector<1x128xf32> to vector<10000x128xf32>
    %mul3A_33 = arith.mulf %sub3A_21, %mul3A_32 : vector<10000x128xf32>
    %get3A_34 = arith.constant 0 : index
    %get3A_35 = arith.constant 0 : index
    %get3A_36 = vector.load %arg5[%get3A_34, %get3A_35] : memref<1x128xf32, #tpu.memory_space<vmem>>, vector<1x128xf32>
    %mul3A_37 = vector.broadcast %get3A_36 : vector<1x128xf32> to vector<10000x128xf32>
    %mul3A_38 = arith.mulf %mul3A_33, %mul3A_37 : vector<10000x128xf32>
    %get3A_39 = arith.constant 0 : index
    %get3A_40 = arith.constant 0 : index
    %get3A_41 = vector.load %arg6[%get3A_39, %get3A_40] : memref<1x128xf32, #tpu.memory_space<vmem>>, vector<1x128xf32>
    %add3A_42 = vector.broadcast %get3A_41 : vector<1x128xf32> to vector<10000x128xf32>
    %add3A_43 = arith.addf %mul3A_38, %add3A_42 : vector<10000x128xf32>
    %max3A = arith.constant 0.000000e+00 : f32
    %max3A_44 = vector.broadcast %max3A : f32 to vector<10000x128xf32>
    %max3A_45 = arith.maximumf %add3A_43, %max3A_44 : vector<10000x128xf32>
    %get3A_46 = arith.constant 0 : index
    %get3A_47 = arith.constant 0 : index
    %get3A_48 = vector.load %arg7[%get3A_46, %get3A_47] : memref<128x128xf32, #tpu.memory_space<vmem>>, vector<128x128xf32>
    %dot_general3A = arith.constant dense<0.000000e+00> : vector<10000x128xf32>
    %dot_general3A_49 = tpu.matmul %max3A_45, %get3A_48, %dot_general3A {dimension_numbers = #tpu.dot_dimension_numbers<[1], [0], [0], [1], [0, 0, 1, 1], [], []>, transpose_lhs_hint = false} : vector<10000x128xf32>, vector<128x128xf32>, vector<10000x128xf32> -> vector<10000x128xf32>
    %mul3A_50 = vector.broadcast %get3A_1 : vector<10000x1xf32> to vector<10000x128xf32>
    %mul3A_51 = arith.mulf %dot_general3A_49, %mul3A_50 : vector<10000x128xf32>
    %swap3A = arith.constant 0 : index
    %swap3A_52 = arith.constant 0 : index
    %swap3A_53 = vector.load %arg8[%swap3A, %swap3A_52] : memref<10000x128xf32, #tpu.memory_space<vmem>>, vector<10000x128xf32>
    tpu.vector_store %arg8[%swap3A, %swap3A_52], %mul3A_51 {strides = array<i32>} : memref<10000x128xf32, #tpu.memory_space<vmem>>, vector<10000x128xf32>,
    return
  }
}

module attributes {stable_mosaic.version = 14 : i64} {
  func.func @_tc_final_body(%arg0: memref<10000x128xf32, #tpu.memory_space<vmem>>, %arg1: memref<10000x128xf32, #tpu.memory_space<vmem>>, %arg2: memref<10000x128xf32, #tpu.memory_space<vmem>>, %arg3: memref<10000x1xf32, #tpu.memory_space<vmem>>, %arg4: memref<1x128xf32, #tpu.memory_space<vmem>>, %arg5: memref<10000x128xf32, #tpu.memory_space<vmem>>) attributes {dimension_semantics = [], scalar_prefetch = 0 : i64, scratch_operands = 0 : i64, tpu.core_type = #tpu.core_type<tc>} {
    %get3A = arith.constant 0 : index
    %get3A_0 = arith.constant 0 : index
    %get3A_1 = vector.load %arg3[%get3A, %get3A_0] : memref<10000x1xf32, #tpu.memory_space<vmem>>, vector<10000x1xf32>
    %get3A_2 = arith.constant 0 : index
    %get3A_3 = arith.constant 0 : index
    %get3A_4 = vector.load %arg0[%get3A_2, %get3A_3] : memref<10000x128xf32, #tpu.memory_space<vmem>>, vector<10000x128xf32>
    %get3A_5 = arith.constant 0 : index
    %get3A_6 = arith.constant 0 : index
    %get3A_7 = vector.load %arg1[%get3A_5, %get3A_6] : memref<10000x128xf32, #tpu.memory_space<vmem>>, vector<10000x128xf32>
    %add3A = arith.addf %get3A_4, %get3A_7 : vector<10000x128xf32>
    %get3A_8 = arith.constant 0 : index
    %get3A_9 = arith.constant 0 : index
    %get3A_10 = vector.load %arg2[%get3A_8, %get3A_9] : memref<10000x128xf32, #tpu.memory_space<vmem>>, vector<10000x128xf32>
    %add3A_11 = arith.addf %add3A, %get3A_10 : vector<10000x128xf32>
    %mul3A = vector.broadcast %get3A_1 : vector<10000x1xf32> to vector<10000x128xf32>
    %mul3A_12 = arith.mulf %mul3A, %add3A_11 : vector<10000x128xf32>
    %get3A_13 = arith.constant 0 : index
    %get3A_14 = arith.constant 0 : index
    %get3A_15 = vector.load %arg4[%get3A_13, %get3A_14] : memref<1x128xf32, #tpu.memory_space<vmem>>, vector<1x128xf32>
    %add3A_16 = vector.broadcast %get3A_15 : vector<1x128xf32> to vector<10000x128xf32>
    %add3A_17 = arith.addf %mul3A_12, %add3A_16 : vector<10000x128xf32>
    %reduce_max3A = arith.constant dense<0xFF800000> : vector<10000xf32>
    %reduce_max3A_18 = vector.multi_reduction <maximumf>, %add3A_17, %reduce_max3A [1] : vector<10000x128xf32> to vector<10000xf32>
    %broadcast_in_dim3A = vector.shape_cast %reduce_max3A_18 : vector<10000xf32> to vector<10000x1xf32>
    %sub3A = vector.broadcast %broadcast_in_dim3A : vector<10000x1xf32> to vector<10000x128xf32>
    %sub3A_19 = arith.subf %add3A_17, %sub3A : vector<10000x128xf32>
    %exp3A = math.exp %sub3A_19 : vector<10000x128xf32>
    %reduce_sum3A = arith.constant dense<0.000000e+00> : vector<10000xf32>
    %reduce_sum3A_20 = vector.multi_reduction <add>, %exp3A, %reduce_sum3A [1] : vector<10000x128xf32> to vector<10000xf32>
    %broadcast_in_dim3A_21 = vector.shape_cast %reduce_sum3A_20 : vector<10000xf32> to vector<10000x1xf32>
    %log3A = math.log %broadcast_in_dim3A_21 : vector<10000x1xf32>
    %add3A_22 = arith.addf %log3A, %broadcast_in_dim3A : vector<10000x1xf32>
    %sub3A_23 = vector.broadcast %add3A_22 : vector<10000x1xf32> to vector<10000x128xf32>
    %sub3A_24 = arith.subf %add3A_17, %sub3A_23 : vector<10000x128xf32>
    %swap3A = arith.constant 0 : index
    %swap3A_25 = arith.constant 0 : index
    %swap3A_26 = vector.load %arg5[%swap3A, %swap3A_25] : memref<10000x128xf32, #tpu.memory_space<vmem>>, vector<10000x128xf32>
    tpu.vector_store %arg5[%swap3A, %swap3A_25], %sub3A_24 {strides = array<i32>} : memref<10000x128xf32, #tpu.memory_space<vmem>>, vector<10000x128xf32>,
    return
  }
}

</mosaic_0001>

<sc_bundles>
// kernel: kernel.10.cloned.1.call-start
scs
__scs_entry_jumppad:
0x0: {  	(pc) =	sbr.rel $0x88, $3  }
0x1: {  	(tag) =	ssettag $0x0;
	lr =	simm.s32 $0x1  }
0x2: {  	[smem:$0x3F95] =	sst lr;
	_ =	strace $0xD0000000  }
0x3: {  	_ = 	snop  }
0x4: {  	_ = 	snop  }
0x5: {  	_ = 	snop  }
0x6: {  	_ = 	snop  }
0x7: {  	_ = 	snop  }
__scs_overlays_trampoline_lowered:
0x8: {  	[smem:$0x3FA4] =	sst s0  }
0x9: {  	[smem:$0x3FA5] =	sst s1  }
0xa: {  	[smem:$0x3FA6] =	sst s2  }
0xb: {  	[smem:$0x3FA7] =	sst s3  }
0xc: {  	[smem:$0x3FA8] =	sst s4  }
0xd: {  	[smem:$0x3FA9] =	sst s5  }
0xe: {  	[smem:$0x3FAA] =	sst s6  }
0xf: {  	[smem:$0x3FAB] =	sst s7  }
0x10: {  	[smem:$0x3FAC] =	sst s8  }
0x11: {  	[smem:$0x3FAD] =	sst s9;
	s0 =	simm.s32 @!p0 $0x0  }
0x12: {  	s1 =	sld [smem:$0x3F93];
	s0 =	simm.s32 @p0 $0x1  }
0x13: {  	[smem:$0x3FAE] =	sst s0;
	s0 =	simm.s32 @!p1 $0x0  }
0x14: {  	s2 =	sld [smem:$0x3F92];
	s0 =	simm.s32 @p1 $0x1  }
0x15: {  	[smem:$0x3FAF] =	sst s0;
	s0 =	simm.s32 @!p2 $0x0  }
0x16: {  	s3 =	sld [smem:$0x3FDB];
	s0 =	simm.s32 @p2 $0x1  }
0x17: {  	s4 =	simm.s32 $0x1BF5;
	[smem:$0x3FB1] =	sst s0  }
0x18: {  	s0 =	sld [smem:$0x3F94];
	_ =	swait.ge [sflag:s4], $0x0  }
0x19: {  	s7 =	sld [smem:$0x3F95]  }
0x1a: {  	s8 =	sadd.s32 $0xFFFFE003, lr  }
0x1b: {  	s9 =	sadd.s32 $0xFFFFFEF7, lr;
	s5 =	simm.s32 $0xFFFFFFFF;
	p2 =	slt.u32 s8, $0xFFFFF086  }
0x1c: {  	p1 =	slt.u32 s9, $0xF7A;
	s5 =	simm.s32 @!p2 $0x0  }
0x1d: {  	s5 =	simm.s32 @p1 $0x1;
	p0 =	seq.s32 s7, s2  }
0x1e: {  	s7 =	smul.u32 @!p0 $0xF7A, s2;
	p2 =	seq.s32 @!p0 s5, $0x0  }
0x1f: {  	s9 =	smul.u32 $0xF7A, s1;
	s8 =	simm.s32 @!p0 $0x1BF5;
	p2 =	por !p2, p0  }
0x20: {  	[sflag:s8] =	ssyncset.s32 @!p0 $0xFFFFF086;
	s6 =	sadd.s32 @!p0 s3, s7;
	s7 =	simm.s32 @!p0 $0x108  }
0x21: {  	s3 =	sadd.s32 s3, s9;
	s6 =	sadd.s32 @!p0 $0x88, s6;
	s7 =	simm.s32 @p2 $0x1082  }
0x22: {  	[simem:s7], [sflag:s8] =	dma.local @!p0 [hbm:s6], $0xF7A  }
0x23: {  	s9 =	sor.u32 $0xD0000000, s2;
	s6 =	simm.s32 $0x108;
	_ =	swait.ge @!p0 [sflag:s8], $0x0  }
0x24: {  	s3 =	sadd.s32 $0x88, s3;
	s6 =	simm.s32 @!p1 $0x1082;
	[sflag:s4] =	ssyncset.s32 $0xFFFFF086  }
0x25: {  	[simem:s6], [sflag:s4] =	dma.local [hbm:s3], $0xF7A  }
0x26: {  	[smem:$0x3F95] =	sst s1;
	(tag) =	ssettag s2;
	_ =	strace s9  }
0x27: {  	s1 =	sld [smem:$0x3FA5]  }
0x28: {  	s2 =	sld [smem:$0x3FA6]  }
0x29: {  	s4 =	sld [smem:$0x3FA8]  }
0x2a: {  	p0 =	seq.s32 s5, $0x0;
	s5 =	sld [smem:$0x3FA9]  }
0x2b: {  	s6 =	sld [smem:$0x3FAA]  }
0x2c: {  	s7 =	sld [smem:$0x3FAB]  }
0x2d: {  	s3 =	simm.s32 $0x108;
	s8 =	sld [smem:$0x3FAC]  }
0x2e: {  	s3 =	simm.s32 @!p0 $0x1082;
	s9 =	sld [smem:$0x3FAD]  }
0x2f: {  	lr =	sadd.s32 s0, s3;
	s0 =	sld [smem:$0x3FA4]  }
0x30: {  	s3 =	sld [smem:$0x3FA7]  }
0x31: {  	[smem:$0x3FB0] =	sst s10  }
0x32: {  	s10 =	sld [smem:$0x3FAE];
	_ =	sdelay $0x3  }
0x33: {  	p0 =	seq.s32 s10, $0x1;
	s10 =	sld [smem:$0x3FB0];
	_ =	sdelay $0x3  }
0x34: {  	[smem:$0x3FB0] =	sst s10  }
0x35: {  	s10 =	sld [smem:$0x3FAF];
	_ =	sdelay $0x3  }
0x36: {  	p1 =	seq.s32 s10, $0x1;
	s10 =	sld [smem:$0x3FB0];
	_ =	sdelay $0x3  }
0x37: {  	[smem:$0x3FB0] =	sst s10  }
0x38: {  	s10 =	sld [smem:$0x3FB1]  }
0x39: {  	_ = 	snop;
	(pc) =	sbr.ind lr, $3  }
0x3a: {  	_ = 	snop  }
0x3b: {  	_ = 	snop  }
0x3c: {  	p2 =	seq.s32 s10, $0x1;
	s10 =	sld [smem:$0x3FB0]  }
0x3d: {  	_ =	shalt  }
0x3e: {  	_ =	shalt  }
0x3f: {  	_ =	shalt  }
0x40: {  	_ =	shalt  }
0x41: {  	_ =	shalt  }
0x42: {  	_ =	shalt  }
0x43: {  	_ =	shalt  }
0x44: {  	_ =	shalt  }
0x45: {  	_ =	shalt  }
0x46: {  	_ =	shalt  }
0x47: {  	_ =	shalt  }
0x48: {  	_ =	shalt  }
0x49: {  	_ =	shalt  }
0x4a: {  	_ =	shalt  }
0x4b: {  	_ =	shalt  }
0x4c: {  	_ =	shalt  }
0x4d: {  	_ =	shalt  }
0x4e: {  	_ =	shalt  }
0x4f: {  	_ =	shalt  }
0x50: {  	_ =	shalt  }
0x51: {  	_ =	shalt  }
0x52: {  	_ =	shalt  }
0x53: {  	_ =	shalt  }
0x54: {  	_ =	shalt  }
0x55: {  	_ =	shalt  }
0x56: {  	_ =	shalt  }
0x57: {  	_ =	shalt  }
0x58: {  	_ =	shalt  }
0x59: {  	_ =	shalt  }
0x5a: {  	_ =	shalt  }
0x5b: {  	_ =	shalt  }
0x5c: {  	_ =	shalt  }
0x5d: {  	_ =	shalt  }
0x5e: {  	_ =	shalt  }
0x5f: {  	_ =	shalt  }
0x60: {  	_ =	shalt  }
0x61: {  	_ =	shalt  }
0x62: {  	_ =	shalt  }
0x63: {  	_ =	shalt  }
0x64: {  	_ =	shalt  }
0x65: {  	_ =	shalt  }
0x66: {  	_ =	shalt  }
0x67: {  	_ =	shalt  }
0x68: {  	_ =	shalt  }
0x69: {  	_ =	shalt  }
0x6a: {  	_ =	shalt  }
0x6b: {  	_ =	shalt  }
0x6c: {  	_ =	shalt  }
0x6d: {  	_ =	shalt  }
0x6e: {  	_ =	shalt  }
0x6f: {  	_ =	shalt  }
0x70: {  	_ =	shalt  }
0x71: {  	_ =	shalt  }
0x72: {  	_ =	shalt  }
0x73: {  	_ =	shalt  }
0x74: {  	_ =	shalt  }
0x75: {  	_ =	shalt  }
0x76: {  	_ =	shalt  }
0x77: {  	_ =	shalt  }
0x78: {  	_ =	shalt  }
0x79: {  	_ =	shalt  }
0x7a: {  	_ =	shalt  }
0x7b: {  	_ =	shalt  }
0x7c: {  	_ =	shalt  }
0x7d: {  	_ =	shalt  }
0x7e: {  	_ =	shalt  }
0x7f: {  	_ =	shalt  }
0x80: {  	_ =	shalt  }
0x81: {  	_ =	shalt  }
0x82: {  	_ =	shalt  }
0x83: {  	_ =	shalt  }
0x84: {  	_ =	shalt  }
0x85: {  	_ =	shalt  }
0x86: {  	_ =	shalt  }
0x87: {  	_ =	shalt  }
.Lfunc_end0:
.L_simem_size_0:
called_computation_lowered:
.L_overlay_start_0:
0x88: {  	s2 =	sld [smem:$0x3FD9]  }
0x89: {  	s3 =	sld [smem:$0x3FFE];
	_ =	sdelay $0x1  }
0x8a: {  	s1 =	srdreg.scid  }
0x8b: {  	s0 =	sand.u32 $0x1, s1  }
0x8c: {  	s17 =	sshll.u32 s0, $0xA;
	s2 =	sadd.s32 s3, s2  }
0x8d: {  	s2 =	sadd.s32 s2, s17  }
0x8e: {  	[smem:$0x3FBC] =	sst s2  }
0x8f: {  	_ = 	snop  }
0x90: {  	s2 =	sld [smem:$0x3FD0];
	(tm) =	ssettm $0x1  }
0x91: {  	s18 =	sld [smem:$0x3FFB];
	_ =	sdelay $0x3  }
0x92: {  	_ =	strace s18  }
0x93: {  	s3 =	sld [smem:$0x3FFC];
	_ =	sdelay $0x3  }
0x94: {  	_ =	strace s3  }
0x95: {  	s3 =	sld [smem:$0x3FFD];
	_ =	sdelay $0x3  }
0x96: {  	_ =	strace s3  }
0x97: {  	_ =	strace $0x8FFFFFFF  }
0x98: {  	s19 =	sld [smem:$0x3FDB];
	_ =	sdelay $0x1  }
0x99: {  	s4 =	simm.s32 $_scs_section_size  }
0x9a: {  	s5 =	simm.s32 $_size__tile_overlayer_lowered;
	s6 =	simm.s32 $_tile_overlayer_lowered  }
0x9b: {  	s22 =	simm.s32 $0x1BFF;
	s21 =	sshll.u32 s6, $0x1;
	s3 =	sadd.s32 s4, s19  }
0x9c: {  	s7 =	simm.s32 $0x0;
	s20 =	sshll.u32 s5, $0x1;
	s5 =	sadd.s32 s21, s3  }
0x9d: {  	[timem:s7], [sflag:s22] =	dma.local [hbm:s5], s20  }
0x9e: {  	_ =	swait.ge [sflag:s22], s20  }
0x9f: {  	s4 =	ssub.s32 $0x0, s20;
	[sflag:s22] =	ssyncset.done $0x0  }
0xa0: {  	[sflag:s22] =	ssyncadd.s32 s4;
	_ =	sdelay $0x1  }
0xa1: {  	s23 =	simm.s32 $0x1B8B  }
0xa2: {  	_ =	swait.ge [sflag:s23], $0x1  }
0xa3: {  	[sflag:s23] =	ssyncset.done $0x0  }
0xa4: {  	s25 =	simm.s32 $0x1B8E;
	s24 =	sld [smem:$0x3FFE];
	[sflag:s23] =	ssyncadd.s32 $0xFFFFFFFF  }
0xa5: {  	s26 =	simm.s32 $execute0_lowered;
	[smem:$0x3FD2] =	sst s25  }
0xa6: {  	s5 =	sshll.u32 s26, $0x1;
	_ =	strace $0x80000046;
	[dreg:$0x1] =	wrdreg $0xFFFFFFFF  }
0xa7: {  	s28 =	simm.s32 $_size_execute0_lowered;
	s3 =	sadd.s32 s3, s5;
	[dreg:$0x0] =	wrdreg $0x0  }
0xa8: {  	s5 =	sshll.u32 s28, $0x1;
	[dreg:$0x2] =	wrdreg s3  }
0xa9: {  	[dreg:$0x3] =	wrdreg s5  }
0xaa: {  	[dreg:$0x4] =	wrdreg $0xC0  }
0xab: {  	_ =	task [dreg:s7], $0x5FFFF  }
0xac: {  	[dreg:$0x1] =	wrdreg $0xFFFFFFFF  }
0xad: {  	[dreg:$0x0] =	wrdreg $0x60  }
0xae: {  	[dreg:$0x2] =	wrdreg s24  }
0xaf: {  	[dreg:$0x3] =	wrdreg s2  }
0xb0: {  	[dreg:$0x4] =	wrdreg $0x9  }
0xb1: {  	_ =	task.clear_ibuf [dreg:s7], $0x5FFFF;
	_ =	strace $0x90000046  }
0xb2: {  	s29 =	simm.s32 $0x9;
	_ =	strace $0x80000048  }
0xb3: {  	_ =	swait.ge [sflag:s29], $0x1  }
0xb4: {  	[sflag:s29] =	ssyncadd.s32 $0xFFFFFFFF  }
0xb5: {  	_ =	strace $0x90000048  }
0xb6: {  	_ =	sfence  }
0xb7: {  	s30 =	sld [smem:$0x0];
	_ =	sdelay $0x2  }
0xb8: {  	s31 =	sshll.u32 s1, $0xD;
	s1 =	sshrl.u32 s1, $0x2  }
0xb9: {  	s3 =	sand.u32 $0x4000, s31;
	s1 =	sadd.s32 s1, s30  }
0xba: {  	s0 =	sor.u32 s3, s0;
	s1 =	sshll.u32 s1, $0x11  }
0xbb: {  	s0 =	sor.u32 s1, s0  }
0xbc: {  	s0 =	sadd.s32 $0x8F2B, s0  }
0xbd: {  	[sflag:s0] =	ssyncadd.remote.s32 $0x1  }
0xbe: {  	_ =	sfence.sel $0xFFFF  }
0xbf: {  	[dreg:$0x0] =	wrdreg $0xFFFFFFFF;
	(pc) =	sbr.abs _section_cstart, $3  }
0xc0: {  	[dreg:$0x1] =	wrdreg $0xFFFFFFFF  }
0xc1: {  	_ =	task.clear_ibuf [dreg:s7], $0x2FFFF;
	_ =	strace $0x9FFFFFFF  }
0xc2: {  	(tm) =	ssettm $0x7FFFFFFF  }
0xc3: {  	_ =	shalt  }
tec
execute0_lowered:
.L_overlay_start_1:
0x0: {  	(tag) =	ssettag $0x1  }
0x1: {  	s0 =	srdreg.scid;
	s3 =	rddreg [dreg:$0x0]  }
0x2: {  	s5 =	rddreg [dreg:$0x1];
	s4 =	sand.u32 $0x1, s0  }
0x3: {  	s1 =	stileid.u32;
	s8 =	simm.s32 $0x0;
	s2 =	sshll.u32 s4, $0x4  }
0x4: {  	s4 =	ssub.s32 $0x2, s4;
	s6 =	sor.u32 s1, s2;
	s2 =	simm.s32 $0x0  }
0x5: {  	s7 =	sshrl.u32 s4, $0x1;
	s6 =	smul.u32 $0x4F0, s6;
	[smem:$0x7FF] =	sst s2  }
0x6: {  	s0 =	rddreg [dreg:$0x2];
	s7 =	ssub.s32 s4, s7;
	_ =	strace $0x80000047  }
0x7: {  	s3 =	sadd.s32 s6, s3;
	s4 =	sadd.s32 s5, s6;
	s5 =	smax.u32 s7, $0x1  }
0x8: {  	v0 =	vimm.f32 $0.0e+00;
	v1 =	vimm.f32 $1.000000000e+00;
	s6 =	simm.s32 $0x1;
	s7 =	simm.s32 $0x2780;
	s3 =	sadd.s32 $0x4E00, s3  }
.LBB2_1:
0x9: {  	[tilespmem:s2], [sflag:$0x1] =	stream.linear.gather [hbm4b:s3+s2], $0x2780, $0x38;
	[tilespmem:$0x4F00] =	vst v63  }
0xa: {  	_ =	swait.ge [sflag:s6], $0x2780  }
0xb: {  	[sflag:s6] =	ssyncset.done $0x0  }
0xc: {  	s9 =	simm.s32 $0x0;
	[sflag:s6] =	ssyncadd.s32 $0xFFFFD880  }
.LBB2_2:
0xd: {  	p0 =	sne.s32 s9, $0x9DC0  }
.Ltmp0:
0xe: {  	_ = 	snop;
	(pc) =	sbr.rel @p0 .LBB2_2-.Ltmp0, $3  }
0xf: {  	_ =	sdelay $0x1  }
0x10: {  	s10 =	sshra.s32 s9, $0x2  }
0x11: {  	s9 =	sadd.s32 $0x40, s9;
	[tilespmem:s10+$0x2780] =	vst v0  }
0x12: {  	s10 =	simm.s32 $0x0;
	s9 =	simm.s32 $0x40  }
.LBB2_4:
0x13: {  	p0 =	sne.s32 s9, $0x9DC0;
	v2 =	vld [tilespmem:s10+$0x0];
	_ =	sdelay $0x3  }
.Ltmp1:
0x14: {  	(pc) =	sbr.rel @p0 .LBB2_4-.Ltmp1, $2  }
0x15: {  	_ =	sdelay $0x2  }
0x16: {  	s10 =	sshra.s32 s9, $0x2;
	s9 =	sadd.s32 $0x40, s9;
	[tilespmem:v2+s7+$0x0] =	vst.idx.add.f32.msk $0xffff, v1  }
0x17: {  	v2 =	vld [tilespmem:s10+$0x0];
	_ =	sdelay $0x5  }
0x18: {  	s8 =	sadd.s32 $0x1, s8  }
0x19: {  	p0 =	sne.s32 s8, s5  }
.Ltmp2:
0x1a: {  	[tilespmem:v2+s7+$0x0] =	vst.idx.add.f32.msk $0xffff, v1;
	(pc) =	sbr.rel @p0 .LBB2_1-.Ltmp2, $4  }
0x1b: {  	[hbm4b:s4+s2] =	stream.linear.scatter [tilespmem:s7], [sflag:$0x1], $0x2780, $0x38;
	[tilespmem:$0x4F00] =	vst v63  }
0x1c: {  	_ =	swait.ge [sflag:s6], $0x2780  }
0x1d: {  	[sflag:s6] =	ssyncset.done $0x0  }
0x1e: {  	[sflag:s6] =	ssyncadd.s32 $0xFFFFD880  }
0x1f: {  	_ =	sfence.sel $0x180000  }
0x20: {  	[bflag:$0x0] =	sbarrier.arrive $0xFFFF  }
0x21: {  	p0 =	sne.s32 s1, $0x0;
	_ =	strace $0x90000047  }
0x22: {  	s0 =	sadd.s32 @!p0 $0x100000, s0;
	[bflag:$0x2] =	sbarrier.arrive $0xFFFF  }
0x23: {  	[sflag:s0] =	ssyncadd.tile.s32 @!p0 $0x1;
	_ =	shalt  }
.Lfunc_end2:
_tile_overlayer_lowered:
.L_overlay_start_2:
0x24: {  	(tag) =	ssettag $0x2  }
0x25: {  	s0 =	rddreg [dreg:$0x0];
	s2 =	stileid.u32  }
0x26: {  	s1 =	rddreg [dreg:$0x1];
	p0 =	sne.s32 s2, $0x0  }
0x27: {  	s3 =	rddreg [dreg:$0x2];
	[bflag:$0x3] =	sbarrier.arrive $0xFFFF;
	s2 =	simm.s32 @!p0 $0x1C01  }
0x28: {  	[timem:s3], [sflag:s2] =	dma.local @!p0 [hbm:s0], s1  }
0x29: {  	s0 =	simm.s32 @!p0 $0x1  }
0x2a: {  	_ =	swait.ge @!p0 [sflag:s0], s1  }
0x2b: {  	s1 =	ssub.s32 @!p0 $0x0, s1;
	[sflag:s0] =	ssyncset.done @!p0 $0x0  }
0x2c: {  	[sflag:s0] =	ssyncadd.s32 @!p0 s1  }
0x2d: {  	[bflag:$0x3] =	sbarrier.arrive $0xFFFF  }
0x2e: {  	_ =	shalt  }

// kernel: kernel.13.cloned.1.call-start
scs
__scs_entry_jumppad:
0x0: {  	(pc) =	sbr.rel $0x88, $3  }
0x1: {  	(tag) =	ssettag $0x0;
	lr =	simm.s32 $0x1  }
0x2: {  	[smem:$0x3F95] =	sst lr;
	_ =	strace $0xD0000000  }
0x3: {  	_ = 	snop  }
0x4: {  	_ = 	snop  }
0x5: {  	_ = 	snop  }
0x6: {  	_ = 	snop  }
0x7: {  	_ = 	snop  }
__scs_overlays_trampoline_lowered:
0x8: {  	[smem:$0x3FA4] =	sst s0  }
0x9: {  	[smem:$0x3FA5] =	sst s1  }
0xa: {  	[smem:$0x3FA6] =	sst s2  }
0xb: {  	[smem:$0x3FA7] =	sst s3  }
0xc: {  	[smem:$0x3FA8] =	sst s4  }
0xd: {  	[smem:$0x3FA9] =	sst s5  }
0xe: {  	[smem:$0x3FAA] =	sst s6  }
0xf: {  	[smem:$0x3FAB] =	sst s7  }
0x10: {  	[smem:$0x3FAC] =	sst s8  }
0x11: {  	[smem:$0x3FAD] =	sst s9;
	s0 =	simm.s32 @!p0 $0x0  }
0x12: {  	s1 =	sld [smem:$0x3F93];
	s0 =	simm.s32 @p0 $0x1  }
0x13: {  	[smem:$0x3FAE] =	sst s0;
	s0 =	simm.s32 @!p1 $0x0  }
0x14: {  	s2 =	sld [smem:$0x3F92];
	s0 =	simm.s32 @p1 $0x1  }
0x15: {  	[smem:$0x3FAF] =	sst s0;
	s0 =	simm.s32 @!p2 $0x0  }
0x16: {  	s3 =	sld [smem:$0x3FDB];
	s0 =	simm.s32 @p2 $0x1  }
0x17: {  	s4 =	simm.s32 $0x1BF5;
	[smem:$0x3FB1] =	sst s0  }
0x18: {  	s0 =	sld [smem:$0x3F94];
	_ =	swait.ge [sflag:s4], $0x0  }
0x19: {  	s7 =	sld [smem:$0x3F95]  }
0x1a: {  	s8 =	sadd.s32 $0xFFFFE003, lr  }
0x1b: {  	s9 =	sadd.s32 $0xFFFFFEF7, lr;
	s5 =	simm.s32 $0xFFFFFFFF;
	p2 =	slt.u32 s8, $0xFFFFF086  }
0x1c: {  	p1 =	slt.u32 s9, $0xF7A;
	s5 =	simm.s32 @!p2 $0x0  }
0x1d: {  	s5 =	simm.s32 @p1 $0x1;
	p0 =	seq.s32 s7, s2  }
0x1e: {  	s7 =	smul.u32 @!p0 $0xF7A, s2;
	p2 =	seq.s32 @!p0 s5, $0x0  }
0x1f: {  	s9 =	smul.u32 $0xF7A, s1;
	s8 =	simm.s32 @!p0 $0x1BF5;
	p2 =	por !p2, p0  }
0x20: {  	[sflag:s8] =	ssyncset.s32 @!p0 $0xFFFFF086;
	s6 =	sadd.s32 @!p0 s3, s7;
	s7 =	simm.s32 @!p0 $0x108  }
0x21: {  	s3 =	sadd.s32 s3, s9;
	s6 =	sadd.s32 @!p0 $0x88, s6;
	s7 =	simm.s32 @p2 $0x1082  }
0x22: {  	[simem:s7], [sflag:s8] =	dma.local @!p0 [hbm:s6], $0xF7A  }
0x23: {  	s9 =	sor.u32 $0xD0000000, s2;
	s6 =	simm.s32 $0x108;
	_ =	swait.ge @!p0 [sflag:s8], $0x0  }
0x24: {  	s3 =	sadd.s32 $0x88, s3;
	s6 =	simm.s32 @!p1 $0x1082;
	[sflag:s4] =	ssyncset.s32 $0xFFFFF086  }
0x25: {  	[simem:s6], [sflag:s4] =	dma.local [hbm:s3], $0xF7A  }
0x26: {  	[smem:$0x3F95] =	sst s1;
	(tag) =	ssettag s2;
	_ =	strace s9  }
0x27: {  	s1 =	sld [smem:$0x3FA5]  }
0x28: {  	s2 =	sld [smem:$0x3FA6]  }
0x29: {  	s4 =	sld [smem:$0x3FA8]  }
0x2a: {  	p0 =	seq.s32 s5, $0x0;
	s5 =	sld [smem:$0x3FA9]  }
0x2b: {  	s6 =	sld [smem:$0x3FAA]  }
0x2c: {  	s7 =	sld [smem:$0x3FAB]  }
0x2d: {  	s3 =	simm.s32 $0x108;
	s8 =	sld [smem:$0x3FAC]  }
0x2e: {  	s3 =	simm.s32 @!p0 $0x1082;
	s9 =	sld [smem:$0x3FAD]  }
0x2f: {  	lr =	sadd.s32 s0, s3;
	s0 =	sld [smem:$0x3FA4]  }
0x30: {  	s3 =	sld [smem:$0x3FA7]  }
0x31: {  	[smem:$0x3FB0] =	sst s10  }
0x32: {  	s10 =	sld [smem:$0x3FAE];
	_ =	sdelay $0x3  }
0x33: {  	p0 =	seq.s32 s10, $0x1;
	s10 =	sld [smem:$0x3FB0];
	_ =	sdelay $0x3  }
0x34: {  	[smem:$0x3FB0] =	sst s10  }
0x35: {  	s10 =	sld [smem:$0x3FAF];
	_ =	sdelay $0x3  }
0x36: {  	p1 =	seq.s32 s10, $0x1;
	s10 =	sld [smem:$0x3FB0];
	_ =	sdelay $0x3  }
0x37: {  	[smem:$0x3FB0] =	sst s10  }
0x38: {  	s10 =	sld [smem:$0x3FB1]  }
0x39: {  	_ = 	snop;
	(pc) =	sbr.ind lr, $3  }
0x3a: {  	_ = 	snop  }
0x3b: {  	_ = 	snop  }
0x3c: {  	p2 =	seq.s32 s10, $0x1;
	s10 =	sld [smem:$0x3FB0]  }
0x3d: {  	_ =	shalt  }
0x3e: {  	_ =	shalt  }
0x3f: {  	_ =	shalt  }
0x40: {  	_ =	shalt  }
0x41: {  	_ =	shalt  }
0x42: {  	_ =	shalt  }
0x43: {  	_ =	shalt  }
0x44: {  	_ =	shalt  }
0x45: {  	_ =	shalt  }
0x46: {  	_ =	shalt  }
0x47: {  	_ =	shalt  }
0x48: {  	_ =	shalt  }
0x49: {  	_ =	shalt  }
0x4a: {  	_ =	shalt  }
0x4b: {  	_ =	shalt  }
0x4c: {  	_ =	shalt  }
0x4d: {  	_ =	shalt  }
0x4e: {  	_ =	shalt  }
0x4f: {  	_ =	shalt  }
0x50: {  	_ =	shalt  }
0x51: {  	_ =	shalt  }
0x52: {  	_ =	shalt  }
0x53: {  	_ =	shalt  }
0x54: {  	_ =	shalt  }
0x55: {  	_ =	shalt  }
0x56: {  	_ =	shalt  }
0x57: {  	_ =	shalt  }
0x58: {  	_ =	shalt  }
0x59: {  	_ =	shalt  }
0x5a: {  	_ =	shalt  }
0x5b: {  	_ =	shalt  }
0x5c: {  	_ =	shalt  }
0x5d: {  	_ =	shalt  }
0x5e: {  	_ =	shalt  }
0x5f: {  	_ =	shalt  }
0x60: {  	_ =	shalt  }
0x61: {  	_ =	shalt  }
0x62: {  	_ =	shalt  }
0x63: {  	_ =	shalt  }
0x64: {  	_ =	shalt  }
0x65: {  	_ =	shalt  }
0x66: {  	_ =	shalt  }
0x67: {  	_ =	shalt  }
0x68: {  	_ =	shalt  }
0x69: {  	_ =	shalt  }
0x6a: {  	_ =	shalt  }
0x6b: {  	_ =	shalt  }
0x6c: {  	_ =	shalt  }
0x6d: {  	_ =	shalt  }
0x6e: {  	_ =	shalt  }
0x6f: {  	_ =	shalt  }
0x70: {  	_ =	shalt  }
0x71: {  	_ =	shalt  }
0x72: {  	_ =	shalt  }
0x73: {  	_ =	shalt  }
0x74: {  	_ =	shalt  }
0x75: {  	_ =	shalt  }
0x76: {  	_ =	shalt  }
0x77: {  	_ =	shalt  }
0x78: {  	_ =	shalt  }
0x79: {  	_ =	shalt  }
0x7a: {  	_ =	shalt  }
0x7b: {  	_ =	shalt  }
0x7c: {  	_ =	shalt  }
0x7d: {  	_ =	shalt  }
0x7e: {  	_ =	shalt  }
0x7f: {  	_ =	shalt  }
0x80: {  	_ =	shalt  }
0x81: {  	_ =	shalt  }
0x82: {  	_ =	shalt  }
0x83: {  	_ =	shalt  }
0x84: {  	_ =	shalt  }
0x85: {  	_ =	shalt  }
0x86: {  	_ =	shalt  }
0x87: {  	_ =	shalt  }
.Lfunc_end0:
.L_simem_size_0:
called_computation.1_lowered:
.L_overlay_start_0:
0x88: {  	s2 =	sld [smem:$0x3FD9]  }
0x89: {  	s3 =	sld [smem:$0x3FFE];
	_ =	sdelay $0x1  }
0x8a: {  	s1 =	srdreg.scid  }
0x8b: {  	s0 =	sand.u32 $0x1, s1  }
0x8c: {  	s17 =	sshll.u32 s0, $0xA;
	s2 =	sadd.s32 s3, s2  }
0x8d: {  	s2 =	sadd.s32 s2, s17  }
0x8e: {  	[smem:$0x3FBC] =	sst s2  }
0x8f: {  	_ = 	snop  }
0x90: {  	s2 =	sld [smem:$0x3FD0];
	(tm) =	ssettm $0x1  }
0x91: {  	s18 =	sld [smem:$0x3FFB];
	_ =	sdelay $0x3  }
0x92: {  	_ =	strace s18  }
0x93: {  	s3 =	sld [smem:$0x3FFC];
	_ =	sdelay $0x3  }
0x94: {  	_ =	strace s3  }
0x95: {  	s3 =	sld [smem:$0x3FFD];
	_ =	sdelay $0x3  }
0x96: {  	_ =	strace s3  }
0x97: {  	_ =	strace $0x8FFFFFFF  }
0x98: {  	s19 =	sld [smem:$0x3FDB];
	_ =	sdelay $0x1  }
0x99: {  	s4 =	simm.s32 $_scs_section_size  }
0x9a: {  	s5 =	simm.s32 $_size__tile_overlayer_lowered;
	s6 =	simm.s32 $_tile_overlayer_lowered  }
0x9b: {  	s22 =	simm.s32 $0x1BFF;
	s21 =	sshll.u32 s6, $0x1;
	s3 =	sadd.s32 s4, s19  }
0x9c: {  	s7 =	simm.s32 $0x0;
	s20 =	sshll.u32 s5, $0x1;
	s5 =	sadd.s32 s21, s3  }
0x9d: {  	[timem:s7], [sflag:s22] =	dma.local [hbm:s5], s20  }
0x9e: {  	_ =	swait.ge [sflag:s22], s20  }
0x9f: {  	s4 =	ssub.s32 $0x0, s20;
	[sflag:s22] =	ssyncset.done $0x0  }
0xa0: {  	[sflag:s22] =	ssyncadd.s32 s4;
	_ =	sdelay $0x1  }
0xa1: {  	s23 =	simm.s32 $0x1B8B  }
0xa2: {  	_ =	swait.ge [sflag:s23], $0x1  }
0xa3: {  	[sflag:s23] =	ssyncset.done $0x0  }
0xa4: {  	s25 =	simm.s32 $0x1B8E;
	s24 =	sld [smem:$0x3FFE];
	[sflag:s23] =	ssyncadd.s32 $0xFFFFFFFF  }
0xa5: {  	s26 =	simm.s32 $execute0_lowered;
	[smem:$0x3FD2] =	sst s25  }
0xa6: {  	s5 =	sshll.u32 s26, $0x1;
	_ =	strace $0x80000049;
	[dreg:$0x1] =	wrdreg $0xFFFFFFFF  }
0xa7: {  	s28 =	simm.s32 $_size_execute0_lowered;
	s3 =	sadd.s32 s3, s5;
	[dreg:$0x0] =	wrdreg $0x0  }
0xa8: {  	s5 =	sshll.u32 s28, $0x1;
	[dreg:$0x2] =	wrdreg s3  }
0xa9: {  	[dreg:$0x3] =	wrdreg s5  }
0xaa: {  	[dreg:$0x4] =	wrdreg $0xC0  }
0xab: {  	_ =	task [dreg:s7], $0x5FFFF  }
0xac: {  	[dreg:$0x1] =	wrdreg $0xFFFFFFFF  }
0xad: {  	[dreg:$0x0] =	wrdreg $0x60  }
0xae: {  	[dreg:$0x2] =	wrdreg s2  }
0xaf: {  	[dreg:$0x3] =	wrdreg s24  }
0xb0: {  	[dreg:$0x4] =	wrdreg $0x41000  }
0xb1: {  	[dreg:$0x5] =	wrdreg $0x9  }
0xb2: {  	_ =	task.clear_ibuf [dreg:s7], $0x6FFFF;
	_ =	strace $0x90000049  }
0xb3: {  	s29 =	simm.s32 $0x9;
	_ =	strace $0x8000004B  }
0xb4: {  	_ =	swait.ge [sflag:s29], $0x1  }
0xb5: {  	[sflag:s29] =	ssyncadd.s32 $0xFFFFFFFF  }
0xb6: {  	_ =	strace $0x9000004B  }
0xb7: {  	_ =	sfence  }
0xb8: {  	s30 =	sld [smem:$0x0];
	_ =	sdelay $0x2  }
0xb9: {  	s31 =	sshll.u32 s1, $0xD;
	s1 =	sshrl.u32 s1, $0x2  }
0xba: {  	s3 =	sand.u32 $0x4000, s31;
	s1 =	sadd.s32 s1, s30  }
0xbb: {  	s0 =	sor.u32 s3, s0;
	s1 =	sshll.u32 s1, $0x11  }
0xbc: {  	s0 =	sor.u32 s1, s0  }
0xbd: {  	s0 =	sadd.s32 $0x8F2B, s0  }
0xbe: {  	[sflag:s0] =	ssyncadd.remote.s32 $0x1  }
0xbf: {  	_ =	sfence.sel $0xFFFF  }
0xc0: {  	[dreg:$0x0] =	wrdreg $0xFFFFFFFF;
	(pc) =	sbr.abs _section_cstart, $3  }
0xc1: {  	[dreg:$0x1] =	wrdreg $0xFFFFFFFF  }
0xc2: {  	_ =	task.clear_ibuf [dreg:s7], $0x2FFFF;
	_ =	strace $0x9FFFFFFF  }
0xc3: {  	(tm) =	ssettm $0x7FFFFFFF  }
tec
execute0_lowered:
.L_overlay_start_1:
0x0: {  	(tag) =	ssettag $0x1  }
0x1: {  	s0 =	rddreg [dreg:$0x0]  }
0x2: {  	s5 =	rddreg [dreg:$0x1]  }
0x3: {  	s1 =	srdreg.scid;
	s2 =	stileid.u32  }
0x4: {  	s3 =	rddreg [dreg:$0x2];
	s4 =	simm.s32 $0x0;
	s8 =	smul.u32 $0x13C00, s2  }
0x5: {  	s13 =	simm.s32 $0x80;
	s14 =	simm.s32 $0x100;
	s26 =	smul.u32 $0x4F000, s2  }
0x6: {  	s15 =	simm.s32 $0x1;
	s6 =	sand.u32 $0x1, s1;
	s30 =	smul.u32 $0x4F0, s2  }
0x7: {  	s16 =	simm.s32 $0x0;
	s1 =	rddreg [dreg:$0x3];
	s7 =	smul.u32 $0x4F00, s6  }
0x8: {  	[smem:$0x7FF] =	sst s4;
	s31 =	sshll.u32 s2, $0x6;
	s9 =	smul.u32 $0x13C000, s6  }
0x9: {  	_ =	strace $0x8000004A;
	s6 =	ssub.s32 $0x2, s6;
	s25 =	sshrl.u32 s8, $0x3  }
0xa: {  	s28 =	sshrl.u32 s6, $0x1;
	s29 =	sshrl.u32 s26, $0x2;
	s10 =	sadd.s32 s7, s5  }
0xb: {  	s8 =	sadd.s32 s8, s9;
	s7 =	sadd.s32 s25, s5;
	s11 =	ssub.s32 s6, s28  }
0xc: {  	s12 =	sadd.s32 s29, s3;
	s6 =	sor.u32 $0x1C02, s31;
	s8 =	sshrl.u32 s8, $0x3  }
0xd: {  	s10 =	sadd.s32 s30, s10;
	s8 =	sadd.s32 s8, s5;
	s5 =	sadd.s32 $0x3FC00, s7  }
0xe: {  	s9 =	sadd.s32 $0x4E00, s10;
	s10 =	sadd.s32 $0xEC00, s10;
	s7 =	sadd.s32 $0x67400, s8  }
0xf: {  	s8 =	smax.u32 s11, $0x1;
	s11 =	sshrl.u32 s12, $0x3;
	s12 =	simm.s32 $0x2  }
.LBB2_1:
0x10: {  	[spmem:s11], [sflag:s6] =	dma.local [hbm:s5], $0x2780  }
0x11: {  	_ =	swait.ge [sflag:s12], $0x2780  }
0x12: {  	[sflag:s12] =	ssyncset.done $0x0  }
0x13: {  	[sflag:s12] =	ssyncadd.s32 $0xFFFFD880  }
0x14: {  	s17 =	sadd.s32 $0x0, s10;
	[bflag:$0x0] =	sbarrier.arrive $0xFFFF  }
0x15: {  	[tilespmem:s4], [sflag:$0x2] =	stream.linear.gather [hbm4b:s17+s4], $0x80, $0x38;
	[tilespmem:$0x17D00] =	vst v63  }
0x16: {  	_ =	swait.ge [sflag:s12], $0x80  }
0x17: {  	[sflag:s12] =	ssyncset.done $0x0  }
0x18: {  	s31 =	sadd.s32 $0x0, s9;
	[sflag:s12] =	ssyncadd.s32 $0xFFFFFF80  }
0x19: {  	[tilespmem:s13], [sflag:$0x2] =	stream.linear.gather [hbm4b:s31+s4], $0x80, $0x38;
	[tilespmem:$0x17D00] =	vst v63  }
0x1a: {  	_ =	swait.ge [sflag:s12], $0x80  }
0x1b: {  	[sflag:s12] =	ssyncset.done $0x0  }
0x1c: {  	[sflag:s12] =	ssyncadd.s32 $0xFFFFFF80  }
0x1d: {  	[tilespmem:s14], [sflag:$0x1] =	stream.indirect.gather [hbm4b:s0+s13], $0x80, s4, s13, $0xb8;
	[tilespmem:$0x17D00] =	vst v63  }
0x1e: {  	_ =	swait.ge [sflag:s15], $0x4000  }
0x1f: {  	[sflag:s15] =	ssyncset.done $0x0  }
0x20: {  	[sflag:s15] =	ssyncadd.s32 $0xFFFFC000  }
0x21: {  	[spmem:s3] =	stream.indirect.scatter.add.f32 [tilespmem:s14], [sflag:$0x2], $0x80, s13, s13, $0xb8;
	[tilespmem:$0x17D00] =	vst v63  }
0x22: {  	_ =	swait.ge [sflag:s12], $0x4000  }
0x23: {  	s18 =	simm.s32 $0x20;
	s17 =	simm.s32 $0x10;
	[sflag:s12] =	ssyncset.done $0x0  }
.LBB2_2:
0x24: {  	s19 =	sadd.s32 s17, s10  }
0x25: {  	[sflag:s12] =	ssyncadd.s32 $0xFFFFC000;
	s20 =	smov.u32 s18;
	s21 =	sadd.s32 $0x10, s18  }
0x26: {  	[tilespmem:s4], [sflag:$0x2] =	stream.linear.gather [hbm4b:s19+s4], $0x80, $0x38;
	[tilespmem:$0x17D00] =	vst v63  }
0x27: {  	p0 =	sne.s32 s18, $0x4E0;
	_ =	swait.ge [sflag:s12], $0x80  }
0x28: {  	[sflag:s12] =	ssyncset.done $0x0  }
0x29: {  	s18 =	sadd.s32 s17, s9;
	s17 =	smov.u32 s20;
	[sflag:s12] =	ssyncadd.s32 $0xFFFFFF80  }
0x2a: {  	[tilespmem:s13], [sflag:$0x2] =	stream.linear.gather [hbm4b:s18+s4], $0x80, $0x38;
	[tilespmem:$0x17D00] =	vst v63  }
0x2b: {  	_ =	swait.ge [sflag:s12], $0x80  }
0x2c: {  	[sflag:s12] =	ssyncset.done $0x0  }
0x2d: {  	[sflag:s12] =	ssyncadd.s32 $0xFFFFFF80  }
0x2e: {  	[tilespmem:s14], [sflag:$0x1] =	stream.indirect.gather [hbm4b:s0+s13], $0x80, s4, s13, $0xb8;
	[tilespmem:$0x17D00] =	vst v63  }
0x2f: {  	_ =	swait.ge [sflag:s15], $0x4000  }
.Ltmp0:
0x30: {  	[sflag:s15] =	ssyncset.done $0x0;
	(pc) =	sbr.rel @p0 .LBB2_2-.Ltmp0, $4  }
0x31: {  	[sflag:s15] =	ssyncadd.s32 $0xFFFFC000  }
0x32: {  	[spmem:s3] =	stream.indirect.scatter.add.f32 [tilespmem:s14], [sflag:$0x2], $0x80, s13, s13, $0xb8;
	[tilespmem:$0x17D00] =	vst v63  }
0x33: {  	_ =	swait.ge [sflag:s12], $0x4000  }
0x34: {  	s18 =	smov.u32 s21;
	[sflag:s12] =	ssyncset.done $0x0  }
0x35: {  	s18 =	sadd.s32 s17, s10;
	[sflag:s12] =	ssyncadd.s32 $0xFFFFC000  }
0x36: {  	[tilespmem:s4], [sflag:$0x2] =	stream.linear.gather [hbm4b:s18+s4], $0x80, $0x38;
	[tilespmem:$0x17D00] =	vst v63  }
0x37: {  	_ =	swait.ge [sflag:s12], $0x80  }
0x38: {  	[sflag:s12] =	ssyncset.done $0x0  }
0x39: {  	s31 =	sadd.s32 s17, s9;
	[sflag:s12] =	ssyncadd.s32 $0xFFFFFF80  }
0x3a: {  	[tilespmem:s13], [sflag:$0x2] =	stream.linear.gather [hbm4b:s31+s4], $0x80, $0x38;
	[tilespmem:$0x17D00] =	vst v63  }
0x3b: {  	_ =	swait.ge [sflag:s12], $0x80  }
0x3c: {  	[sflag:s12] =	ssyncset.done $0x0  }
0x3d: {  	[sflag:s12] =	ssyncadd.s32 $0xFFFFFF80  }
0x3e: {  	[tilespmem:s14], [sflag:$0x1] =	stream.indirect.gather [hbm4b:s0+s13], $0x80, s4, s13, $0xb8;
	[tilespmem:$0x17D00] =	vst v63  }
0x3f: {  	_ =	swait.ge [sflag:s15], $0x4000  }
0x40: {  	[sflag:s15] =	ssyncset.done $0x0  }
0x41: {  	[sflag:s15] =	ssyncadd.s32 $0xFFFFC000  }
0x42: {  	[spmem:s3] =	stream.indirect.scatter.add.f32 [tilespmem:s14], [sflag:$0x2], $0x80, s13, s13, $0xb8;
	[tilespmem:$0x17D00] =	vst v63  }
0x43: {  	_ =	swait.ge [sflag:s12], $0x4000  }
0x44: {  	s16 =	sadd.s32 $0x1, s16;
	[sflag:s12] =	ssyncset.done $0x0  }
0x45: {  	p0 =	sne.s32 s16, s8;
	[sflag:s12] =	ssyncadd.s32 $0xFFFFC000  }
.Ltmp1:
0x46: {  	[bflag:$0x0] =	sbarrier.arrive $0xFFFF;
	(pc) =	sbr.rel @p0 .LBB2_1-.Ltmp1, $4  }
0x47: {  	[hbm:s7], [sflag:s6] =	dma.local [spmem:s11], $0x2780  }
0x48: {  	_ =	swait.ge [sflag:s12], $0x2780  }
0x49: {  	[sflag:s12] =	ssyncset.done $0x0  }
0x4a: {  	[sflag:s12] =	ssyncadd.s32 $0xFFFFD880  }
0x4b: {  	_ =	sfence.sel $0x180000  }
0x4c: {  	[bflag:$0x0] =	sbarrier.arrive $0xFFFF  }
0x4d: {  	p0 =	sne.s32 s2, $0x0;
	_ =	strace $0x9000004A  }
0x4e: {  	s0 =	sadd.s32 @!p0 $0x100000, s1;
	[bflag:$0x2] =	sbarrier.arrive $0xFFFF  }
0x4f: {  	[sflag:s0] =	ssyncadd.tile.s32 @!p0 $0x1;
	_ =	shalt  }
.Lfunc_end2:
_tile_overlayer_lowered:
.L_overlay_start_2:
0x50: {  	(tag) =	ssettag $0x2  }
0x51: {  	s0 =	rddreg [dreg:$0x0];
	s2 =	stileid.u32  }
0x52: {  	s1 =	rddreg [dreg:$0x1];
	p0 =	sne.s32 s2, $0x0  }
0x53: {  	s3 =	rddreg [dreg:$0x2];
	[bflag:$0x3] =	sbarrier.arrive $0xFFFF;
	s2 =	simm.s32 @!p0 $0x1C02  }
0x54: {  	[timem:s3], [sflag:s2] =	dma.local @!p0 [hbm:s0], s1  }
0x55: {  	s0 =	simm.s32 @!p0 $0x2  }
0x56: {  	_ =	swait.ge @!p0 [sflag:s0], s1  }
0x57: {  	s1 =	ssub.s32 @!p0 $0x0, s1;
	[sflag:s0] =	ssyncset.done @!p0 $0x0  }
0x58: {  	[sflag:s0] =	ssyncadd.s32 @!p0 s1  }
0x59: {  	[bflag:$0x3] =	sbarrier.arrive $0xFFFF  }
0x5a: {  	_ =	shalt  }

// kernel: kernel.16.cloned.1.call-start
scs
__scs_entry_jumppad:
0x0: {  	(pc) =	sbr.rel $0x88, $3  }
0x1: {  	(tag) =	ssettag $0x0;
	lr =	simm.s32 $0x1  }
0x2: {  	[smem:$0x3F95] =	sst lr;
	_ =	strace $0xD0000000  }
0x3: {  	_ = 	snop  }
0x4: {  	_ = 	snop  }
0x5: {  	_ = 	snop  }
0x6: {  	_ = 	snop  }
0x7: {  	_ = 	snop  }
__scs_overlays_trampoline_lowered:
0x8: {  	[smem:$0x3FA4] =	sst s0  }
0x9: {  	[smem:$0x3FA5] =	sst s1  }
0xa: {  	[smem:$0x3FA6] =	sst s2  }
0xb: {  	[smem:$0x3FA7] =	sst s3  }
0xc: {  	[smem:$0x3FA8] =	sst s4  }
0xd: {  	[smem:$0x3FA9] =	sst s5  }
0xe: {  	[smem:$0x3FAA] =	sst s6  }
0xf: {  	[smem:$0x3FAB] =	sst s7  }
0x10: {  	[smem:$0x3FAC] =	sst s8  }
0x11: {  	[smem:$0x3FAD] =	sst s9;
	s0 =	simm.s32 @!p0 $0x0  }
0x12: {  	s1 =	sld [smem:$0x3F93];
	s0 =	simm.s32 @p0 $0x1  }
0x13: {  	[smem:$0x3FAE] =	sst s0;
	s0 =	simm.s32 @!p1 $0x0  }
0x14: {  	s2 =	sld [smem:$0x3F92];
	s0 =	simm.s32 @p1 $0x1  }
0x15: {  	[smem:$0x3FAF] =	sst s0;
	s0 =	simm.s32 @!p2 $0x0  }
0x16: {  	s3 =	sld [smem:$0x3FDB];
	s0 =	simm.s32 @p2 $0x1  }
0x17: {  	s4 =	simm.s32 $0x1BF5;
	[smem:$0x3FB1] =	sst s0  }
0x18: {  	s0 =	sld [smem:$0x3F94];
	_ =	swait.ge [sflag:s4], $0x0  }
0x19: {  	s7 =	sld [smem:$0x3F95]  }
0x1a: {  	s8 =	sadd.s32 $0xFFFFE003, lr  }
0x1b: {  	s9 =	sadd.s32 $0xFFFFFEF7, lr;
	s5 =	simm.s32 $0xFFFFFFFF;
	p2 =	slt.u32 s8, $0xFFFFF086  }
0x1c: {  	p1 =	slt.u32 s9, $0xF7A;
	s5 =	simm.s32 @!p2 $0x0  }
0x1d: {  	s5 =	simm.s32 @p1 $0x1;
	p0 =	seq.s32 s7, s2  }
0x1e: {  	s7 =	smul.u32 @!p0 $0xF7A, s2;
	p2 =	seq.s32 @!p0 s5, $0x0  }
0x1f: {  	s9 =	smul.u32 $0xF7A, s1;
	s8 =	simm.s32 @!p0 $0x1BF5;
	p2 =	por !p2, p0  }
0x20: {  	[sflag:s8] =	ssyncset.s32 @!p0 $0xFFFFF086;
	s6 =	sadd.s32 @!p0 s3, s7;
	s7 =	simm.s32 @!p0 $0x108  }
0x21: {  	s3 =	sadd.s32 s3, s9;
	s6 =	sadd.s32 @!p0 $0x88, s6;
	s7 =	simm.s32 @p2 $0x1082  }
0x22: {  	[simem:s7], [sflag:s8] =	dma.local @!p0 [hbm:s6], $0xF7A  }
0x23: {  	s9 =	sor.u32 $0xD0000000, s2;
	s6 =	simm.s32 $0x108;
	_ =	swait.ge @!p0 [sflag:s8], $0x0  }
0x24: {  	s3 =	sadd.s32 $0x88, s3;
	s6 =	simm.s32 @!p1 $0x1082;
	[sflag:s4] =	ssyncset.s32 $0xFFFFF086  }
0x25: {  	[simem:s6], [sflag:s4] =	dma.local [hbm:s3], $0xF7A  }
0x26: {  	[smem:$0x3F95] =	sst s1;
	(tag) =	ssettag s2;
	_ =	strace s9  }
0x27: {  	s1 =	sld [smem:$0x3FA5]  }
0x28: {  	s2 =	sld [smem:$0x3FA6]  }
0x29: {  	s4 =	sld [smem:$0x3FA8]  }
0x2a: {  	p0 =	seq.s32 s5, $0x0;
	s5 =	sld [smem:$0x3FA9]  }
0x2b: {  	s6 =	sld [smem:$0x3FAA]  }
0x2c: {  	s7 =	sld [smem:$0x3FAB]  }
0x2d: {  	s3 =	simm.s32 $0x108;
	s8 =	sld [smem:$0x3FAC]  }
0x2e: {  	s3 =	simm.s32 @!p0 $0x1082;
	s9 =	sld [smem:$0x3FAD]  }
0x2f: {  	lr =	sadd.s32 s0, s3;
	s0 =	sld [smem:$0x3FA4]  }
0x30: {  	s3 =	sld [smem:$0x3FA7]  }
0x31: {  	[smem:$0x3FB0] =	sst s10  }
0x32: {  	s10 =	sld [smem:$0x3FAE];
	_ =	sdelay $0x3  }
0x33: {  	p0 =	seq.s32 s10, $0x1;
	s10 =	sld [smem:$0x3FB0];
	_ =	sdelay $0x3  }
0x34: {  	[smem:$0x3FB0] =	sst s10  }
0x35: {  	s10 =	sld [smem:$0x3FAF];
	_ =	sdelay $0x3  }
0x36: {  	p1 =	seq.s32 s10, $0x1;
	s10 =	sld [smem:$0x3FB0];
	_ =	sdelay $0x3  }
0x37: {  	[smem:$0x3FB0] =	sst s10  }
0x38: {  	s10 =	sld [smem:$0x3FB1]  }
0x39: {  	_ = 	snop;
	(pc) =	sbr.ind lr, $3  }
0x3a: {  	_ = 	snop  }
0x3b: {  	_ = 	snop  }
0x3c: {  	p2 =	seq.s32 s10, $0x1;
	s10 =	sld [smem:$0x3FB0]  }
0x3d: {  	_ =	shalt  }
0x3e: {  	_ =	shalt  }
0x3f: {  	_ =	shalt  }
0x40: {  	_ =	shalt  }
0x41: {  	_ =	shalt  }
0x42: {  	_ =	shalt  }
0x43: {  	_ =	shalt  }
0x44: {  	_ =	shalt  }
0x45: {  	_ =	shalt  }
0x46: {  	_ =	shalt  }
0x47: {  	_ =	shalt  }
0x48: {  	_ =	shalt  }
0x49: {  	_ =	shalt  }
0x4a: {  	_ =	shalt  }
0x4b: {  	_ =	shalt  }
0x4c: {  	_ =	shalt  }
0x4d: {  	_ =	shalt  }
0x4e: {  	_ =	shalt  }
0x4f: {  	_ =	shalt  }
0x50: {  	_ =	shalt  }
0x51: {  	_ =	shalt  }
0x52: {  	_ =	shalt  }
0x53: {  	_ =	shalt  }
0x54: {  	_ =	shalt  }
0x55: {  	_ =	shalt  }
0x56: {  	_ =	shalt  }
0x57: {  	_ =	shalt  }
0x58: {  	_ =	shalt  }
0x59: {  	_ =	shalt  }
0x5a: {  	_ =	shalt  }
0x5b: {  	_ =	shalt  }
0x5c: {  	_ =	shalt  }
0x5d: {  	_ =	shalt  }
0x5e: {  	_ =	shalt  }
0x5f: {  	_ =	shalt  }
0x60: {  	_ =	shalt  }
0x61: {  	_ =	shalt  }
0x62: {  	_ =	shalt  }
0x63: {  	_ =	shalt  }
0x64: {  	_ =	shalt  }
0x65: {  	_ =	shalt  }
0x66: {  	_ =	shalt  }
0x67: {  	_ =	shalt  }
0x68: {  	_ =	shalt  }
0x69: {  	_ =	shalt  }
0x6a: {  	_ =	shalt  }
0x6b: {  	_ =	shalt  }
0x6c: {  	_ =	shalt  }
0x6d: {  	_ =	shalt  }
0x6e: {  	_ =	shalt  }
0x6f: {  	_ =	shalt  }
0x70: {  	_ =	shalt  }
0x71: {  	_ =	shalt  }
0x72: {  	_ =	shalt  }
0x73: {  	_ =	shalt  }
0x74: {  	_ =	shalt  }
0x75: {  	_ =	shalt  }
0x76: {  	_ =	shalt  }
0x77: {  	_ =	shalt  }
0x78: {  	_ =	shalt  }
0x79: {  	_ =	shalt  }
0x7a: {  	_ =	shalt  }
0x7b: {  	_ =	shalt  }
0x7c: {  	_ =	shalt  }
0x7d: {  	_ =	shalt  }
0x7e: {  	_ =	shalt  }
0x7f: {  	_ =	shalt  }
0x80: {  	_ =	shalt  }
0x81: {  	_ =	shalt  }
0x82: {  	_ =	shalt  }
0x83: {  	_ =	shalt  }
0x84: {  	_ =	shalt  }
0x85: {  	_ =	shalt  }
0x86: {  	_ =	shalt  }
0x87: {  	_ =	shalt  }
.Lfunc_end0:
.L_simem_size_0:
called_computation.2_lowered:
.L_overlay_start_0:
0x88: {  	s2 =	sld [smem:$0x3FD9]  }
0x89: {  	s3 =	sld [smem:$0x3FFE];
	_ =	sdelay $0x1  }
0x8a: {  	s1 =	srdreg.scid  }
0x8b: {  	s0 =	sand.u32 $0x1, s1  }
0x8c: {  	s17 =	sshll.u32 s0, $0xA;
	s2 =	sadd.s32 s3, s2  }
0x8d: {  	s2 =	sadd.s32 s2, s17  }
0x8e: {  	[smem:$0x3FBC] =	sst s2  }
0x8f: {  	_ = 	snop  }
0x90: {  	s2 =	sld [smem:$0x3FD0];
	(tm) =	ssettm $0x1  }
0x91: {  	s18 =	sld [smem:$0x3FFB];
	_ =	sdelay $0x3  }
0x92: {  	_ =	strace s18  }
0x93: {  	s3 =	sld [smem:$0x3FFC];
	_ =	sdelay $0x3  }
0x94: {  	_ =	strace s3  }
0x95: {  	s3 =	sld [smem:$0x3FFD];
	_ =	sdelay $0x3  }
0x96: {  	_ =	strace s3  }
0x97: {  	_ =	strace $0x8FFFFFFF  }
0x98: {  	s19 =	sld [smem:$0x3FDB];
	_ =	sdelay $0x1  }
0x99: {  	s4 =	simm.s32 $_scs_section_size  }
0x9a: {  	s5 =	simm.s32 $_size__tile_overlayer_lowered;
	s6 =	simm.s32 $_tile_overlayer_lowered  }
0x9b: {  	s22 =	simm.s32 $0x1BFF;
	s21 =	sshll.u32 s6, $0x1;
	s3 =	sadd.s32 s4, s19  }
0x9c: {  	s7 =	simm.s32 $0x0;
	s20 =	sshll.u32 s5, $0x1;
	s5 =	sadd.s32 s21, s3  }
0x9d: {  	[timem:s7], [sflag:s22] =	dma.local [hbm:s5], s20  }
0x9e: {  	_ =	swait.ge [sflag:s22], s20  }
0x9f: {  	s4 =	ssub.s32 $0x0, s20;
	[sflag:s22] =	ssyncset.done $0x0  }
0xa0: {  	[sflag:s22] =	ssyncadd.s32 s4;
	_ =	sdelay $0x1  }
0xa1: {  	s23 =	simm.s32 $0x1B8B  }
0xa2: {  	_ =	swait.ge [sflag:s23], $0x1  }
0xa3: {  	[sflag:s23] =	ssyncset.done $0x0  }
0xa4: {  	s25 =	simm.s32 $0x1B8E;
	s24 =	sld [smem:$0x3FFE];
	[sflag:s23] =	ssyncadd.s32 $0xFFFFFFFF  }
0xa5: {  	s26 =	simm.s32 $execute0_lowered;
	[smem:$0x3FD2] =	sst s25  }
0xa6: {  	s5 =	sshll.u32 s26, $0x1;
	_ =	strace $0x8000004C;
	[dreg:$0x1] =	wrdreg $0xFFFFFFFF  }
0xa7: {  	s28 =	simm.s32 $_size_execute0_lowered;
	s3 =	sadd.s32 s3, s5;
	[dreg:$0x0] =	wrdreg $0x0  }
0xa8: {  	s5 =	sshll.u32 s28, $0x1;
	[dreg:$0x2] =	wrdreg s3  }
0xa9: {  	[dreg:$0x3] =	wrdreg s5  }
0xaa: {  	[dreg:$0x4] =	wrdreg $0xC0  }
0xab: {  	_ =	task [dreg:s7], $0x5FFFF  }
0xac: {  	[dreg:$0x1] =	wrdreg $0xFFFFFFFF  }
0xad: {  	[dreg:$0x0] =	wrdreg $0x60  }
0xae: {  	[dreg:$0x2] =	wrdreg s2  }
0xaf: {  	[dreg:$0x3] =	wrdreg s24  }
0xb0: {  	[dreg:$0x4] =	wrdreg $0x41000  }
0xb1: {  	[dreg:$0x5] =	wrdreg $0x9  }
0xb2: {  	_ =	task.clear_ibuf [dreg:s7], $0x6FFFF;
	_ =	strace $0x9000004C  }
0xb3: {  	s29 =	simm.s32 $0x9;
	_ =	strace $0x8000004E  }
0xb4: {  	_ =	swait.ge [sflag:s29], $0x1  }
0xb5: {  	[sflag:s29] =	ssyncadd.s32 $0xFFFFFFFF  }
0xb6: {  	_ =	strace $0x9000004E  }
0xb7: {  	_ =	sfence  }
0xb8: {  	s30 =	sld [smem:$0x0];
	_ =	sdelay $0x2  }
0xb9: {  	s31 =	sshll.u32 s1, $0xD;
	s1 =	sshrl.u32 s1, $0x2  }
0xba: {  	s3 =	sand.u32 $0x4000, s31;
	s1 =	sadd.s32 s1, s30  }
0xbb: {  	s0 =	sor.u32 s3, s0;
	s1 =	sshll.u32 s1, $0x11  }
0xbc: {  	s0 =	sor.u32 s1, s0  }
0xbd: {  	s0 =	sadd.s32 $0x8F2B, s0  }
0xbe: {  	[sflag:s0] =	ssyncadd.remote.s32 $0x1  }
0xbf: {  	_ =	sfence.sel $0xFFFF  }
0xc0: {  	[dreg:$0x0] =	wrdreg $0xFFFFFFFF;
	(pc) =	sbr.abs _section_cstart, $3  }
0xc1: {  	[dreg:$0x1] =	wrdreg $0xFFFFFFFF  }
0xc2: {  	_ =	task.clear_ibuf [dreg:s7], $0x2FFFF;
	_ =	strace $0x9FFFFFFF  }
0xc3: {  	(tm) =	ssettm $0x7FFFFFFF  }
tec
execute0_lowered:
.L_overlay_start_1:
0x0: {  	(tag) =	ssettag $0x1  }
0x1: {  	s0 =	rddreg [dreg:$0x0]  }
0x2: {  	s5 =	rddreg [dreg:$0x1]  }
0x3: {  	s1 =	srdreg.scid;
	s2 =	stileid.u32  }
0x4: {  	s3 =	rddreg [dreg:$0x2];
	s4 =	simm.s32 $0x0;
	s8 =	smul.u32 $0x13C00, s2  }
0x5: {  	s13 =	simm.s32 $0x80;
	s14 =	simm.s32 $0x100;
	s26 =	smul.u32 $0x4F000, s2  }
0x6: {  	s15 =	simm.s32 $0x1;
	s6 =	sand.u32 $0x1, s1;
	s30 =	smul.u32 $0x4F0, s2  }
0x7: {  	s16 =	simm.s32 $0x0;
	s1 =	rddreg [dreg:$0x3];
	s7 =	smul.u32 $0x4F00, s6  }
0x8: {  	[smem:$0x7FF] =	sst s4;
	s31 =	sshll.u32 s2, $0x6;
	s9 =	smul.u32 $0x13C000, s6  }
0x9: {  	_ =	strace $0x8000004D;
	s6 =	ssub.s32 $0x2, s6;
	s25 =	sshrl.u32 s8, $0x3  }
0xa: {  	s28 =	sshrl.u32 s6, $0x1;
	s29 =	sshrl.u32 s26, $0x2;
	s10 =	sadd.s32 s7, s5  }
0xb: {  	s8 =	sadd.s32 s8, s9;
	s7 =	sadd.s32 s25, s5;
	s11 =	ssub.s32 s6, s28  }
0xc: {  	s12 =	sadd.s32 s29, s3;
	s6 =	sor.u32 $0x1C02, s31;
	s8 =	sshrl.u32 s8, $0x3  }
0xd: {  	s10 =	sadd.s32 s30, s10;
	s8 =	sadd.s32 s8, s5;
	s5 =	sadd.s32 $0x3FC00, s7  }
0xe: {  	s9 =	sadd.s32 $0x4E00, s10;
	s10 =	sadd.s32 $0xEC00, s10;
	s7 =	sadd.s32 $0x67400, s8  }
0xf: {  	s8 =	smax.u32 s11, $0x1;
	s11 =	sshrl.u32 s12, $0x3;
	s12 =	simm.s32 $0x2  }
.LBB2_1:
0x10: {  	[spmem:s11], [sflag:s6] =	dma.local [hbm:s5], $0x2780  }
0x11: {  	_ =	swait.ge [sflag:s12], $0x2780  }
0x12: {  	[sflag:s12] =	ssyncset.done $0x0  }
0x13: {  	[sflag:s12] =	ssyncadd.s32 $0xFFFFD880  }
0x14: {  	s17 =	sadd.s32 $0x0, s10;
	[bflag:$0x0] =	sbarrier.arrive $0xFFFF  }
0x15: {  	[tilespmem:s4], [sflag:$0x2] =	stream.linear.gather [hbm4b:s17+s4], $0x80, $0x38;
	[tilespmem:$0x17D00] =	vst v63  }
0x16: {  	_ =	swait.ge [sflag:s12], $0x80  }
0x17: {  	[sflag:s12] =	ssyncset.done $0x0  }
0x18: {  	s31 =	sadd.s32 $0x0, s9;
	[sflag:s12] =	ssyncadd.s32 $0xFFFFFF80  }
0x19: {  	[tilespmem:s13], [sflag:$0x2] =	stream.linear.gather [hbm4b:s31+s4], $0x80, $0x38;
	[tilespmem:$0x17D00] =	vst v63  }
0x1a: {  	_ =	swait.ge [sflag:s12], $0x80  }
0x1b: {  	[sflag:s12] =	ssyncset.done $0x0  }
0x1c: {  	[sflag:s12] =	ssyncadd.s32 $0xFFFFFF80  }
0x1d: {  	[tilespmem:s14], [sflag:$0x1] =	stream.indirect.gather [hbm4b:s0+s13], $0x80, s4, s13, $0xb8;
	[tilespmem:$0x17D00] =	vst v63  }
0x1e: {  	_ =	swait.ge [sflag:s15], $0x4000  }
0x1f: {  	[sflag:s15] =	ssyncset.done $0x0  }
0x20: {  	[sflag:s15] =	ssyncadd.s32 $0xFFFFC000  }
0x21: {  	[spmem:s3] =	stream.indirect.scatter.add.f32 [tilespmem:s14], [sflag:$0x2], $0x80, s13, s13, $0xb8;
	[tilespmem:$0x17D00] =	vst v63  }
0x22: {  	_ =	swait.ge [sflag:s12], $0x4000  }
0x23: {  	s18 =	simm.s32 $0x20;
	s17 =	simm.s32 $0x10;
	[sflag:s12] =	ssyncset.done $0x0  }
.LBB2_2:
0x24: {  	s19 =	sadd.s32 s17, s10  }
0x25: {  	[sflag:s12] =	ssyncadd.s32 $0xFFFFC000;
	s20 =	smov.u32 s18;
	s21 =	sadd.s32 $0x10, s18  }
0x26: {  	[tilespmem:s4], [sflag:$0x2] =	stream.linear.gather [hbm4b:s19+s4], $0x80, $0x38;
	[tilespmem:$0x17D00] =	vst v63  }
0x27: {  	p0 =	sne.s32 s18, $0x4E0;
	_ =	swait.ge [sflag:s12], $0x80  }
0x28: {  	[sflag:s12] =	ssyncset.done $0x0  }
0x29: {  	s18 =	sadd.s32 s17, s9;
	s17 =	smov.u32 s20;
	[sflag:s12] =	ssyncadd.s32 $0xFFFFFF80  }
0x2a: {  	[tilespmem:s13], [sflag:$0x2] =	stream.linear.gather [hbm4b:s18+s4], $0x80, $0x38;
	[tilespmem:$0x17D00] =	vst v63  }
0x2b: {  	_ =	swait.ge [sflag:s12], $0x80  }
0x2c: {  	[sflag:s12] =	ssyncset.done $0x0  }
0x2d: {  	[sflag:s12] =	ssyncadd.s32 $0xFFFFFF80  }
0x2e: {  	[tilespmem:s14], [sflag:$0x1] =	stream.indirect.gather [hbm4b:s0+s13], $0x80, s4, s13, $0xb8;
	[tilespmem:$0x17D00] =	vst v63  }
0x2f: {  	_ =	swait.ge [sflag:s15], $0x4000  }
.Ltmp0:
0x30: {  	[sflag:s15] =	ssyncset.done $0x0;
	(pc) =	sbr.rel @p0 .LBB2_2-.Ltmp0, $4  }
0x31: {  	[sflag:s15] =	ssyncadd.s32 $0xFFFFC000  }
0x32: {  	[spmem:s3] =	stream.indirect.scatter.add.f32 [tilespmem:s14], [sflag:$0x2], $0x80, s13, s13, $0xb8;
	[tilespmem:$0x17D00] =	vst v63  }
0x33: {  	_ =	swait.ge [sflag:s12], $0x4000  }
0x34: {  	s18 =	smov.u32 s21;
	[sflag:s12] =	ssyncset.done $0x0  }
0x35: {  	s18 =	sadd.s32 s17, s10;
	[sflag:s12] =	ssyncadd.s32 $0xFFFFC000  }
0x36: {  	[tilespmem:s4], [sflag:$0x2] =	stream.linear.gather [hbm4b:s18+s4], $0x80, $0x38;
	[tilespmem:$0x17D00] =	vst v63  }
0x37: {  	_ =	swait.ge [sflag:s12], $0x80  }
0x38: {  	[sflag:s12] =	ssyncset.done $0x0  }
0x39: {  	s31 =	sadd.s32 s17, s9;
	[sflag:s12] =	ssyncadd.s32 $0xFFFFFF80  }
0x3a: {  	[tilespmem:s13], [sflag:$0x2] =	stream.linear.gather [hbm4b:s31+s4], $0x80, $0x38;
	[tilespmem:$0x17D00] =	vst v63  }
0x3b: {  	_ =	swait.ge [sflag:s12], $0x80  }
0x3c: {  	[sflag:s12] =	ssyncset.done $0x0  }
0x3d: {  	[sflag:s12] =	ssyncadd.s32 $0xFFFFFF80  }
0x3e: {  	[tilespmem:s14], [sflag:$0x1] =	stream.indirect.gather [hbm4b:s0+s13], $0x80, s4, s13, $0xb8;
	[tilespmem:$0x17D00] =	vst v63  }
0x3f: {  	_ =	swait.ge [sflag:s15], $0x4000  }
0x40: {  	[sflag:s15] =	ssyncset.done $0x0  }
0x41: {  	[sflag:s15] =	ssyncadd.s32 $0xFFFFC000  }
0x42: {  	[spmem:s3] =	stream.indirect.scatter.add.f32 [tilespmem:s14], [sflag:$0x2], $0x80, s13, s13, $0xb8;
	[tilespmem:$0x17D00] =	vst v63  }
0x43: {  	_ =	swait.ge [sflag:s12], $0x4000  }
0x44: {  	s16 =	sadd.s32 $0x1, s16;
	[sflag:s12] =	ssyncset.done $0x0  }
0x45: {  	p0 =	sne.s32 s16, s8;
	[sflag:s12] =	ssyncadd.s32 $0xFFFFC000  }
.Ltmp1:
0x46: {  	[bflag:$0x0] =	sbarrier.arrive $0xFFFF;
	(pc) =	sbr.rel @p0 .LBB2_1-.Ltmp1, $4  }
0x47: {  	[hbm:s7], [sflag:s6] =	dma.local [spmem:s11], $0x2780  }
0x48: {  	_ =	swait.ge [sflag:s12], $0x2780  }
0x49: {  	[sflag:s12] =	ssyncset.done $0x0  }
0x4a: {  	[sflag:s12] =	ssyncadd.s32 $0xFFFFD880  }
0x4b: {  	_ =	sfence.sel $0x180000  }
0x4c: {  	[bflag:$0x0] =	sbarrier.arrive $0xFFFF  }
0x4d: {  	p0 =	sne.s32 s2, $0x0;
	_ =	strace $0x9000004D  }
0x4e: {  	s0 =	sadd.s32 @!p0 $0x100000, s1;
	[bflag:$0x2] =	sbarrier.arrive $0xFFFF  }
0x4f: {  	[sflag:s0] =	ssyncadd.tile.s32 @!p0 $0x1;
	_ =	shalt  }
.Lfunc_end2:
_tile_overlayer_lowered:
.L_overlay_start_2:
0x50: {  	(tag) =	ssettag $0x2  }
0x51: {  	s0 =	rddreg [dreg:$0x0];
	s2 =	stileid.u32  }
0x52: {  	s1 =	rddreg [dreg:$0x1];
	p0 =	sne.s32 s2, $0x0  }
0x53: {  	s3 =	rddreg [dreg:$0x2];
	[bflag:$0x3] =	sbarrier.arrive $0xFFFF;
	s2 =	simm.s32 @!p0 $0x1C02  }
0x54: {  	[timem:s3], [sflag:s2] =	dma.local @!p0 [hbm:s0], s1  }
0x55: {  	s0 =	simm.s32 @!p0 $0x2  }
0x56: {  	_ =	swait.ge @!p0 [sflag:s0], s1  }
0x57: {  	s1 =	ssub.s32 @!p0 $0x0, s1;
	[sflag:s0] =	ssyncset.done @!p0 $0x0  }
0x58: {  	[sflag:s0] =	ssyncadd.s32 @!p0 s1  }
0x59: {  	[bflag:$0x3] =	sbarrier.arrive $0xFFFF  }
0x5a: {  	_ =	shalt  }

// kernel: kernel.19.cloned.1.call-start
scs
__scs_entry_jumppad:
0x0: {  	(pc) =	sbr.rel $0x88, $3  }
0x1: {  	(tag) =	ssettag $0x0;
	lr =	simm.s32 $0x1  }
0x2: {  	[smem:$0x3F95] =	sst lr;
	_ =	strace $0xD0000000  }
0x3: {  	_ = 	snop  }
0x4: {  	_ = 	snop  }
0x5: {  	_ = 	snop  }
0x6: {  	_ = 	snop  }
0x7: {  	_ = 	snop  }
__scs_overlays_trampoline_lowered:
0x8: {  	[smem:$0x3FA4] =	sst s0  }
0x9: {  	[smem:$0x3FA5] =	sst s1  }
0xa: {  	[smem:$0x3FA6] =	sst s2  }
0xb: {  	[smem:$0x3FA7] =	sst s3  }
0xc: {  	[smem:$0x3FA8] =	sst s4  }
0xd: {  	[smem:$0x3FA9] =	sst s5  }
0xe: {  	[smem:$0x3FAA] =	sst s6  }
0xf: {  	[smem:$0x3FAB] =	sst s7  }
0x10: {  	[smem:$0x3FAC] =	sst s8  }
0x11: {  	[smem:$0x3FAD] =	sst s9;
	s0 =	simm.s32 @!p0 $0x0  }
0x12: {  	s1 =	sld [smem:$0x3F93];
	s0 =	simm.s32 @p0 $0x1  }
0x13: {  	[smem:$0x3FAE] =	sst s0;
	s0 =	simm.s32 @!p1 $0x0  }
0x14: {  	s2 =	sld [smem:$0x3F92];
	s0 =	simm.s32 @p1 $0x1  }
0x15: {  	[smem:$0x3FAF] =	sst s0;
	s0 =	simm.s32 @!p2 $0x0  }
0x16: {  	s3 =	sld [smem:$0x3FDB];
	s0 =	simm.s32 @p2 $0x1  }
0x17: {  	s4 =	simm.s32 $0x1BF5;
	[smem:$0x3FB1] =	sst s0  }
0x18: {  	s0 =	sld [smem:$0x3F94];
	_ =	swait.ge [sflag:s4], $0x0  }
0x19: {  	s7 =	sld [smem:$0x3F95]  }
0x1a: {  	s8 =	sadd.s32 $0xFFFFE003, lr  }
0x1b: {  	s9 =	sadd.s32 $0xFFFFFEF7, lr;
	s5 =	simm.s32 $0xFFFFFFFF;
	p2 =	slt.u32 s8, $0xFFFFF086  }
0x1c: {  	p1 =	slt.u32 s9, $0xF7A;
	s5 =	simm.s32 @!p2 $0x0  }
0x1d: {  	s5 =	simm.s32 @p1 $0x1;
	p0 =	seq.s32 s7, s2  }
0x1e: {  	s7 =	smul.u32 @!p0 $0xF7A, s2;
	p2 =	seq.s32 @!p0 s5, $0x0  }
0x1f: {  	s9 =	smul.u32 $0xF7A, s1;
	s8 =	simm.s32 @!p0 $0x1BF5;
	p2 =	por !p2, p0  }
0x20: {  	[sflag:s8] =	ssyncset.s32 @!p0 $0xFFFFF086;
	s6 =	sadd.s32 @!p0 s3, s7;
	s7 =	simm.s32 @!p0 $0x108  }
0x21: {  	s3 =	sadd.s32 s3, s9;
	s6 =	sadd.s32 @!p0 $0x88, s6;
	s7 =	simm.s32 @p2 $0x1082  }
0x22: {  	[simem:s7], [sflag:s8] =	dma.local @!p0 [hbm:s6], $0xF7A  }
0x23: {  	s9 =	sor.u32 $0xD0000000, s2;
	s6 =	simm.s32 $0x108;
	_ =	swait.ge @!p0 [sflag:s8], $0x0  }
0x24: {  	s3 =	sadd.s32 $0x88, s3;
	s6 =	simm.s32 @!p1 $0x1082;
	[sflag:s4] =	ssyncset.s32 $0xFFFFF086  }
0x25: {  	[simem:s6], [sflag:s4] =	dma.local [hbm:s3], $0xF7A  }
0x26: {  	[smem:$0x3F95] =	sst s1;
	(tag) =	ssettag s2;
	_ =	strace s9  }
0x27: {  	s1 =	sld [smem:$0x3FA5]  }
0x28: {  	s2 =	sld [smem:$0x3FA6]  }
0x29: {  	s4 =	sld [smem:$0x3FA8]  }
0x2a: {  	p0 =	seq.s32 s5, $0x0;
	s5 =	sld [smem:$0x3FA9]  }
0x2b: {  	s6 =	sld [smem:$0x3FAA]  }
0x2c: {  	s7 =	sld [smem:$0x3FAB]  }
0x2d: {  	s3 =	simm.s32 $0x108;
	s8 =	sld [smem:$0x3FAC]  }
0x2e: {  	s3 =	simm.s32 @!p0 $0x1082;
	s9 =	sld [smem:$0x3FAD]  }
0x2f: {  	lr =	sadd.s32 s0, s3;
	s0 =	sld [smem:$0x3FA4]  }
0x30: {  	s3 =	sld [smem:$0x3FA7]  }
0x31: {  	[smem:$0x3FB0] =	sst s10  }
0x32: {  	s10 =	sld [smem:$0x3FAE];
	_ =	sdelay $0x3  }
0x33: {  	p0 =	seq.s32 s10, $0x1;
	s10 =	sld [smem:$0x3FB0];
	_ =	sdelay $0x3  }
0x34: {  	[smem:$0x3FB0] =	sst s10  }
0x35: {  	s10 =	sld [smem:$0x3FAF];
	_ =	sdelay $0x3  }
0x36: {  	p1 =	seq.s32 s10, $0x1;
	s10 =	sld [smem:$0x3FB0];
	_ =	sdelay $0x3  }
0x37: {  	[smem:$0x3FB0] =	sst s10  }
0x38: {  	s10 =	sld [smem:$0x3FB1]  }
0x39: {  	_ = 	snop;
	(pc) =	sbr.ind lr, $3  }
0x3a: {  	_ = 	snop  }
0x3b: {  	_ = 	snop  }
0x3c: {  	p2 =	seq.s32 s10, $0x1;
	s10 =	sld [smem:$0x3FB0]  }
0x3d: {  	_ =	shalt  }
0x3e: {  	_ =	shalt  }
0x3f: {  	_ =	shalt  }
0x40: {  	_ =	shalt  }
0x41: {  	_ =	shalt  }
0x42: {  	_ =	shalt  }
0x43: {  	_ =	shalt  }
0x44: {  	_ =	shalt  }
0x45: {  	_ =	shalt  }
0x46: {  	_ =	shalt  }
0x47: {  	_ =	shalt  }
0x48: {  	_ =	shalt  }
0x49: {  	_ =	shalt  }
0x4a: {  	_ =	shalt  }
0x4b: {  	_ =	shalt  }
0x4c: {  	_ =	shalt  }
0x4d: {  	_ =	shalt  }
0x4e: {  	_ =	shalt  }
0x4f: {  	_ =	shalt  }
0x50: {  	_ =	shalt  }
0x51: {  	_ =	shalt  }
0x52: {  	_ =	shalt  }
0x53: {  	_ =	shalt  }
0x54: {  	_ =	shalt  }
0x55: {  	_ =	shalt  }
0x56: {  	_ =	shalt  }
0x57: {  	_ =	shalt  }
0x58: {  	_ =	shalt  }
0x59: {  	_ =	shalt  }
0x5a: {  	_ =	shalt  }
0x5b: {  	_ =	shalt  }
0x5c: {  	_ =	shalt  }
0x5d: {  	_ =	shalt  }
0x5e: {  	_ =	shalt  }
0x5f: {  	_ =	shalt  }
0x60: {  	_ =	shalt  }
0x61: {  	_ =	shalt  }
0x62: {  	_ =	shalt  }
0x63: {  	_ =	shalt  }
0x64: {  	_ =	shalt  }
0x65: {  	_ =	shalt  }
0x66: {  	_ =	shalt  }
0x67: {  	_ =	shalt  }
0x68: {  	_ =	shalt  }
0x69: {  	_ =	shalt  }
0x6a: {  	_ =	shalt  }
0x6b: {  	_ =	shalt  }
0x6c: {  	_ =	shalt  }
0x6d: {  	_ =	shalt  }
0x6e: {  	_ =	shalt  }
0x6f: {  	_ =	shalt  }
0x70: {  	_ =	shalt  }
0x71: {  	_ =	shalt  }
0x72: {  	_ =	shalt  }
0x73: {  	_ =	shalt  }
0x74: {  	_ =	shalt  }
0x75: {  	_ =	shalt  }
0x76: {  	_ =	shalt  }
0x77: {  	_ =	shalt  }
0x78: {  	_ =	shalt  }
0x79: {  	_ =	shalt  }
0x7a: {  	_ =	shalt  }
0x7b: {  	_ =	shalt  }
0x7c: {  	_ =	shalt  }
0x7d: {  	_ =	shalt  }
0x7e: {  	_ =	shalt  }
0x7f: {  	_ =	shalt  }
0x80: {  	_ =	shalt  }
0x81: {  	_ =	shalt  }
0x82: {  	_ =	shalt  }
0x83: {  	_ =	shalt  }
0x84: {  	_ =	shalt  }
0x85: {  	_ =	shalt  }
0x86: {  	_ =	shalt  }
0x87: {  	_ =	shalt  }
.Lfunc_end0:
.L_simem_size_0:
called_computation.3_lowered:
.L_overlay_start_0:
0x88: {  	s2 =	sld [smem:$0x3FD9]  }
0x89: {  	s3 =	sld [smem:$0x3FFE];
	_ =	sdelay $0x1  }
0x8a: {  	s1 =	srdreg.scid  }
0x8b: {  	s0 =	sand.u32 $0x1, s1  }
0x8c: {  	s17 =	sshll.u32 s0, $0xA;
	s2 =	sadd.s32 s3, s2  }
0x8d: {  	s2 =	sadd.s32 s2, s17  }
0x8e: {  	[smem:$0x3FBC] =	sst s2  }
0x8f: {  	_ = 	snop  }
0x90: {  	s2 =	sld [smem:$0x3FD0];
	(tm) =	ssettm $0x1  }
0x91: {  	s18 =	sld [smem:$0x3FFB];
	_ =	sdelay $0x3  }
0x92: {  	_ =	strace s18  }
0x93: {  	s3 =	sld [smem:$0x3FFC];
	_ =	sdelay $0x3  }
0x94: {  	_ =	strace s3  }
0x95: {  	s3 =	sld [smem:$0x3FFD];
	_ =	sdelay $0x3  }
0x96: {  	_ =	strace s3  }
0x97: {  	_ =	strace $0x8FFFFFFF  }
0x98: {  	s19 =	sld [smem:$0x3FDB];
	_ =	sdelay $0x1  }
0x99: {  	s4 =	simm.s32 $_scs_section_size  }
0x9a: {  	s5 =	simm.s32 $_size__tile_overlayer_lowered;
	s6 =	simm.s32 $_tile_overlayer_lowered  }
0x9b: {  	s22 =	simm.s32 $0x1BFF;
	s21 =	sshll.u32 s6, $0x1;
	s3 =	sadd.s32 s4, s19  }
0x9c: {  	s7 =	simm.s32 $0x0;
	s20 =	sshll.u32 s5, $0x1;
	s5 =	sadd.s32 s21, s3  }
0x9d: {  	[timem:s7], [sflag:s22] =	dma.local [hbm:s5], s20  }
0x9e: {  	_ =	swait.ge [sflag:s22], s20  }
0x9f: {  	s4 =	ssub.s32 $0x0, s20;
	[sflag:s22] =	ssyncset.done $0x0  }
0xa0: {  	[sflag:s22] =	ssyncadd.s32 s4;
	_ =	sdelay $0x1  }
0xa1: {  	s23 =	simm.s32 $0x1B8B  }
0xa2: {  	_ =	swait.ge [sflag:s23], $0x1  }
0xa3: {  	[sflag:s23] =	ssyncset.done $0x0  }
0xa4: {  	s25 =	simm.s32 $0x1B8E;
	s24 =	sld [smem:$0x3FFE];
	[sflag:s23] =	ssyncadd.s32 $0xFFFFFFFF  }
0xa5: {  	s26 =	simm.s32 $execute0_lowered;
	[smem:$0x3FD2] =	sst s25  }
0xa6: {  	s5 =	sshll.u32 s26, $0x1;
	_ =	strace $0x8000004F;
	[dreg:$0x1] =	wrdreg $0xFFFFFFFF  }
0xa7: {  	s28 =	simm.s32 $_size_execute0_lowered;
	s3 =	sadd.s32 s3, s5;
	[dreg:$0x0] =	wrdreg $0x0  }
0xa8: {  	s5 =	sshll.u32 s28, $0x1;
	[dreg:$0x2] =	wrdreg s3  }
0xa9: {  	[dreg:$0x3] =	wrdreg s5  }
0xaa: {  	[dreg:$0x4] =	wrdreg $0xC0  }
0xab: {  	_ =	task [dreg:s7], $0x5FFFF  }
0xac: {  	[dreg:$0x1] =	wrdreg $0xFFFFFFFF  }
0xad: {  	[dreg:$0x0] =	wrdreg $0x60  }
0xae: {  	[dreg:$0x2] =	wrdreg s2  }
0xaf: {  	[dreg:$0x3] =	wrdreg s24  }
0xb0: {  	[dreg:$0x4] =	wrdreg $0x41000  }
0xb1: {  	[dreg:$0x5] =	wrdreg $0x9  }
0xb2: {  	_ =	task.clear_ibuf [dreg:s7], $0x6FFFF;
	_ =	strace $0x9000004F  }
0xb3: {  	s29 =	simm.s32 $0x9;
	_ =	strace $0x80000051  }
0xb4: {  	_ =	swait.ge [sflag:s29], $0x1  }
0xb5: {  	[sflag:s29] =	ssyncadd.s32 $0xFFFFFFFF  }
0xb6: {  	_ =	strace $0x90000051  }
0xb7: {  	_ =	sfence  }
0xb8: {  	s30 =	sld [smem:$0x0];
	_ =	sdelay $0x2  }
0xb9: {  	s31 =	sshll.u32 s1, $0xD;
	s1 =	sshrl.u32 s1, $0x2  }
0xba: {  	s3 =	sand.u32 $0x4000, s31;
	s1 =	sadd.s32 s1, s30  }
0xbb: {  	s0 =	sor.u32 s3, s0;
	s1 =	sshll.u32 s1, $0x11  }
0xbc: {  	s0 =	sor.u32 s1, s0  }
0xbd: {  	s0 =	sadd.s32 $0x8F2B, s0  }
0xbe: {  	[sflag:s0] =	ssyncadd.remote.s32 $0x1  }
0xbf: {  	_ =	sfence.sel $0xFFFF  }
0xc0: {  	[dreg:$0x0] =	wrdreg $0xFFFFFFFF;
	(pc) =	sbr.abs _section_cstart, $3  }
0xc1: {  	[dreg:$0x1] =	wrdreg $0xFFFFFFFF  }
0xc2: {  	_ =	task.clear_ibuf [dreg:s7], $0x2FFFF;
	_ =	strace $0x9FFFFFFF  }
0xc3: {  	(tm) =	ssettm $0x7FFFFFFF  }
tec
execute0_lowered:
.L_overlay_start_1:
0x0: {  	(tag) =	ssettag $0x1  }
0x1: {  	s0 =	rddreg [dreg:$0x0]  }
0x2: {  	s5 =	rddreg [dreg:$0x1]  }
0x3: {  	s1 =	srdreg.scid;
	s2 =	stileid.u32  }
0x4: {  	s3 =	rddreg [dreg:$0x2];
	s4 =	simm.s32 $0x0;
	s8 =	smul.u32 $0x13C00, s2  }
0x5: {  	s13 =	simm.s32 $0x80;
	s14 =	simm.s32 $0x100;
	s26 =	smul.u32 $0x4F000, s2  }
0x6: {  	s15 =	simm.s32 $0x1;
	s6 =	sand.u32 $0x1, s1;
	s30 =	smul.u32 $0x4F0, s2  }
0x7: {  	s16 =	simm.s32 $0x0;
	s1 =	rddreg [dreg:$0x3];
	s7 =	smul.u32 $0x4F00, s6  }
0x8: {  	[smem:$0x7FF] =	sst s4;
	s31 =	sshll.u32 s2, $0x6;
	s9 =	smul.u32 $0x13C000, s6  }
0x9: {  	_ =	strace $0x80000050;
	s6 =	ssub.s32 $0x2, s6;
	s25 =	sshrl.u32 s8, $0x3  }
0xa: {  	s28 =	sshrl.u32 s6, $0x1;
	s29 =	sshrl.u32 s26, $0x2;
	s10 =	sadd.s32 s7, s5  }
0xb: {  	s8 =	sadd.s32 s8, s9;
	s7 =	sadd.s32 s25, s5;
	s11 =	ssub.s32 s6, s28  }
0xc: {  	s12 =	sadd.s32 s29, s3;
	s6 =	sor.u32 $0x1C02, s31;
	s8 =	sshrl.u32 s8, $0x3  }
0xd: {  	s10 =	sadd.s32 s30, s10;
	s8 =	sadd.s32 s8, s5;
	s5 =	sadd.s32 $0x3FC00, s7  }
0xe: {  	s9 =	sadd.s32 $0x4E00, s10;
	s10 =	sadd.s32 $0xEC00, s10;
	s7 =	sadd.s32 $0x67400, s8  }
0xf: {  	s8 =	smax.u32 s11, $0x1;
	s11 =	sshrl.u32 s12, $0x3;
	s12 =	simm.s32 $0x2  }
.LBB2_1:
0x10: {  	[spmem:s11], [sflag:s6] =	dma.local [hbm:s5], $0x2780  }
0x11: {  	_ =	swait.ge [sflag:s12], $0x2780  }
0x12: {  	[sflag:s12] =	ssyncset.done $0x0  }
0x13: {  	[sflag:s12] =	ssyncadd.s32 $0xFFFFD880  }
0x14: {  	s17 =	sadd.s32 $0x0, s10;
	[bflag:$0x0] =	sbarrier.arrive $0xFFFF  }
0x15: {  	[tilespmem:s4], [sflag:$0x2] =	stream.linear.gather [hbm4b:s17+s4], $0x80, $0x38;
	[tilespmem:$0x17D00] =	vst v63  }
0x16: {  	_ =	swait.ge [sflag:s12], $0x80  }
0x17: {  	[sflag:s12] =	ssyncset.done $0x0  }
0x18: {  	s31 =	sadd.s32 $0x0, s9;
	[sflag:s12] =	ssyncadd.s32 $0xFFFFFF80  }
0x19: {  	[tilespmem:s13], [sflag:$0x2] =	stream.linear.gather [hbm4b:s31+s4], $0x80, $0x38;
	[tilespmem:$0x17D00] =	vst v63  }
0x1a: {  	_ =	swait.ge [sflag:s12], $0x80  }
0x1b: {  	[sflag:s12] =	ssyncset.done $0x0  }
0x1c: {  	[sflag:s12] =	ssyncadd.s32 $0xFFFFFF80  }
0x1d: {  	[tilespmem:s14], [sflag:$0x1] =	stream.indirect.gather [hbm4b:s0+s13], $0x80, s4, s13, $0xb8;
	[tilespmem:$0x17D00] =	vst v63  }
0x1e: {  	_ =	swait.ge [sflag:s15], $0x4000  }
0x1f: {  	[sflag:s15] =	ssyncset.done $0x0  }
0x20: {  	[sflag:s15] =	ssyncadd.s32 $0xFFFFC000  }
0x21: {  	[spmem:s3] =	stream.indirect.scatter.add.f32 [tilespmem:s14], [sflag:$0x2], $0x80, s13, s13, $0xb8;
	[tilespmem:$0x17D00] =	vst v63  }
0x22: {  	_ =	swait.ge [sflag:s12], $0x4000  }
0x23: {  	s18 =	simm.s32 $0x20;
	s17 =	simm.s32 $0x10;
	[sflag:s12] =	ssyncset.done $0x0  }
.LBB2_2:
0x24: {  	s19 =	sadd.s32 s17, s10  }
0x25: {  	[sflag:s12] =	ssyncadd.s32 $0xFFFFC000;
	s20 =	smov.u32 s18;
	s21 =	sadd.s32 $0x10, s18  }
0x26: {  	[tilespmem:s4], [sflag:$0x2] =	stream.linear.gather [hbm4b:s19+s4], $0x80, $0x38;
	[tilespmem:$0x17D00] =	vst v63  }
0x27: {  	p0 =	sne.s32 s18, $0x4E0;
	_ =	swait.ge [sflag:s12], $0x80  }
0x28: {  	[sflag:s12] =	ssyncset.done $0x0  }
0x29: {  	s18 =	sadd.s32 s17, s9;
	s17 =	smov.u32 s20;
	[sflag:s12] =	ssyncadd.s32 $0xFFFFFF80  }
0x2a: {  	[tilespmem:s13], [sflag:$0x2] =	stream.linear.gather [hbm4b:s18+s4], $0x80, $0x38;
	[tilespmem:$0x17D00] =	vst v63  }
0x2b: {  	_ =	swait.ge [sflag:s12], $0x80  }
0x2c: {  	[sflag:s12] =	ssyncset.done $0x0  }
0x2d: {  	[sflag:s12] =	ssyncadd.s32 $0xFFFFFF80  }
0x2e: {  	[tilespmem:s14], [sflag:$0x1] =	stream.indirect.gather [hbm4b:s0+s13], $0x80, s4, s13, $0xb8;
	[tilespmem:$0x17D00] =	vst v63  }
0x2f: {  	_ =	swait.ge [sflag:s15], $0x4000  }
.Ltmp0:
0x30: {  	[sflag:s15] =	ssyncset.done $0x0;
	(pc) =	sbr.rel @p0 .LBB2_2-.Ltmp0, $4  }
0x31: {  	[sflag:s15] =	ssyncadd.s32 $0xFFFFC000  }
0x32: {  	[spmem:s3] =	stream.indirect.scatter.add.f32 [tilespmem:s14], [sflag:$0x2], $0x80, s13, s13, $0xb8;
	[tilespmem:$0x17D00] =	vst v63  }
0x33: {  	_ =	swait.ge [sflag:s12], $0x4000  }
0x34: {  	s18 =	smov.u32 s21;
	[sflag:s12] =	ssyncset.done $0x0  }
0x35: {  	s18 =	sadd.s32 s17, s10;
	[sflag:s12] =	ssyncadd.s32 $0xFFFFC000  }
0x36: {  	[tilespmem:s4], [sflag:$0x2] =	stream.linear.gather [hbm4b:s18+s4], $0x80, $0x38;
	[tilespmem:$0x17D00] =	vst v63  }
0x37: {  	_ =	swait.ge [sflag:s12], $0x80  }
0x38: {  	[sflag:s12] =	ssyncset.done $0x0  }
0x39: {  	s31 =	sadd.s32 s17, s9;
	[sflag:s12] =	ssyncadd.s32 $0xFFFFFF80  }
0x3a: {  	[tilespmem:s13], [sflag:$0x2] =	stream.linear.gather [hbm4b:s31+s4], $0x80, $0x38;
	[tilespmem:$0x17D00] =	vst v63  }
0x3b: {  	_ =	swait.ge [sflag:s12], $0x80  }
0x3c: {  	[sflag:s12] =	ssyncset.done $0x0  }
0x3d: {  	[sflag:s12] =	ssyncadd.s32 $0xFFFFFF80  }
0x3e: {  	[tilespmem:s14], [sflag:$0x1] =	stream.indirect.gather [hbm4b:s0+s13], $0x80, s4, s13, $0xb8;
	[tilespmem:$0x17D00] =	vst v63  }
0x3f: {  	_ =	swait.ge [sflag:s15], $0x4000  }
0x40: {  	[sflag:s15] =	ssyncset.done $0x0  }
0x41: {  	[sflag:s15] =	ssyncadd.s32 $0xFFFFC000  }
0x42: {  	[spmem:s3] =	stream.indirect.scatter.add.f32 [tilespmem:s14], [sflag:$0x2], $0x80, s13, s13, $0xb8;
	[tilespmem:$0x17D00] =	vst v63  }
0x43: {  	_ =	swait.ge [sflag:s12], $0x4000  }
0x44: {  	s16 =	sadd.s32 $0x1, s16;
	[sflag:s12] =	ssyncset.done $0x0  }
0x45: {  	p0 =	sne.s32 s16, s8;
	[sflag:s12] =	ssyncadd.s32 $0xFFFFC000  }
.Ltmp1:
0x46: {  	[bflag:$0x0] =	sbarrier.arrive $0xFFFF;
	(pc) =	sbr.rel @p0 .LBB2_1-.Ltmp1, $4  }
0x47: {  	[hbm:s7], [sflag:s6] =	dma.local [spmem:s11], $0x2780  }
0x48: {  	_ =	swait.ge [sflag:s12], $0x2780  }
0x49: {  	[sflag:s12] =	ssyncset.done $0x0  }
0x4a: {  	[sflag:s12] =	ssyncadd.s32 $0xFFFFD880  }
0x4b: {  	_ =	sfence.sel $0x180000  }
0x4c: {  	[bflag:$0x0] =	sbarrier.arrive $0xFFFF  }
0x4d: {  	p0 =	sne.s32 s2, $0x0;
	_ =	strace $0x90000050  }
0x4e: {  	s0 =	sadd.s32 @!p0 $0x100000, s1;
	[bflag:$0x2] =	sbarrier.arrive $0xFFFF  }
0x4f: {  	[sflag:s0] =	ssyncadd.tile.s32 @!p0 $0x1;
	_ =	shalt  }
.Lfunc_end2:
_tile_overlayer_lowered:
.L_overlay_start_2:
0x50: {  	(tag) =	ssettag $0x2  }
0x51: {  	s0 =	rddreg [dreg:$0x0];
	s2 =	stileid.u32  }
0x52: {  	s1 =	rddreg [dreg:$0x1];
	p0 =	sne.s32 s2, $0x0  }
0x53: {  	s3 =	rddreg [dreg:$0x2];
	[bflag:$0x3] =	sbarrier.arrive $0xFFFF;
	s2 =	simm.s32 @!p0 $0x1C02  }
0x54: {  	[timem:s3], [sflag:s2] =	dma.local @!p0 [hbm:s0], s1  }
0x55: {  	s0 =	simm.s32 @!p0 $0x2  }
0x56: {  	_ =	swait.ge @!p0 [sflag:s0], s1  }
0x57: {  	s1 =	ssub.s32 @!p0 $0x0, s1;
	[sflag:s0] =	ssyncset.done @!p0 $0x0  }
0x58: {  	[sflag:s0] =	ssyncadd.s32 @!p0 s1  }
0x59: {  	[bflag:$0x3] =	sbarrier.arrive $0xFFFF  }
0x5a: {  	_ =	shalt  }

</sc_bundles>
